<compile_context>
chip_gen: v7x
topology: tpu7x:2x2x1
jax: 0.10.2.dev20260603
libtpu: 0.0.44.dev20260713+nightly
codegen_flags: <defaults>
</compile_context>

<pallas_src>
import functools

import jax
import jax.numpy as jnp
from jax import lax
from jax.experimental import pallas as pl
from jax.experimental.pallas import tpu as pltpu
from jax.experimental.pallas import tpu_sc as plsc

NC = 2
NS = 16
C = 125


def _combine_matmul(summed, W):
    n, d = summed.shape
    d_out = W.shape[0]
    blk = 2000
    dn = (((1,), (1,)), ((), ()))

    def body(p_ref, w_ref, o_ref):
        o_ref[...] = lax.dot_general(p_ref[...], w_ref[...], dn,
                                     preferred_element_type=jnp.float32)

    return pl.pallas_call(
        body,
        grid=(n // blk,),
        in_specs=[
            pl.BlockSpec((blk, d), lambda i: (i, 0)),
            pl.BlockSpec(W.shape, lambda i: (0, 0)),
        ],
        out_specs=pl.BlockSpec((blk, d_out), lambda i: (i, 0)),
        out_shape=jax.ShapeDtypeStruct((n, d_out), jnp.float32),
    )(summed, W)


def _make_sc_scatter(n, hd, ch_per_tile):
    rows_per_tile = n // NS
    mesh = plsc.VectorSubcoreMesh(
        core_axis_name="c", subcore_axis_name="s",
        num_cores=NC, num_subcores=NS)

    @functools.partial(
        pl.kernel,
        out_type=jax.ShapeDtypeStruct((n, NC * hd), jnp.float32),
        mesh=mesh,
        compiler_params=pltpu.CompilerParams(use_tc_tiling_on_sc=False),
        scratch_types=(
            [pltpu.VMEM((ch_per_tile, C), jnp.int32)] * 2
            + [pltpu.VMEM((C, hd), jnp.float32)] * 6
            + [pltpu.VMEM_SHARED((n, hd), jnp.float32)]
            + [pltpu.SemaphoreType.DMA] * 12
        ),
    )
    def sc_scatter(x2_hbm, src_hbm, tgt_hbm, out_hbm,
                   src_v, tgt_v, b0, b1, b2, b3, b4, b5, acc,
                   g0, g1, g2, g3, g4, g5,
                   s0, s1, s2, s3, s4, s5):
        bufs = (b0, b1, b2, b3, b4, b5)
        gsems = (g0, g1, g2, g3, g4, g5)
        ssems = (s0, s1, s2, s3, s4, s5)
        c = lax.axis_index("c")
        s = lax.axis_index("s")

        def gfire(j, k):
            pltpu.async_copy(x2_hbm.at[src_v.at[j]], bufs[k], gsems[k])

        def gwait(j, k):
            pltpu.make_async_copy(
                x2_hbm.at[src_v.at[j]], bufs[k], gsems[k]).wait()

        def sfire(j, k):
            pltpu.async_copy(bufs[k], acc.at[tgt_v.at[j]], ssems[k], add=True)

        def swait(j, k):
            pltpu.make_async_copy(
                bufs[k], acc.at[tgt_v.at[j]], ssems[k]).wait()

        n_main = (ch_per_tile // 6) * 6 if ch_per_tile >= 6 else 0

        def ring_body(g, carry):
            for k in range(6):
                j = 6 * g + k
                gwait(j, k)
                sfire(j, k)
                k2 = (k + 3) % 6
                if k < 3:
                    @pl.when(g > 0)
                    def _():
                        swait(j - 3, k2)
                else:
                    swait(j - 3, k2)

                @pl.when(j + 3 < ch_per_tile)
                def _():
                    gfire(j + 3, k2)
            return carry

        pltpu.sync_copy(src_hbm.at[c, s], src_v)
        pltpu.sync_copy(tgt_hbm.at[s], tgt_v)
        if n_main:
            for jp in range(3):
                gfire(jp, jp)
        zero16 = jnp.zeros((16,), jnp.float32)

        def zero_body(i, carry):
            for k in range(hd // 16):
                b5[i, pl.ds(k * 16, 16)] = zero16
            return carry

        lax.fori_loop(0, C, zero_body, 0)
        off = 0
        while off < rows_per_tile:
            m = min(C, rows_per_tile - off)
            pltpu.sync_copy(b5.at[pl.ds(0, m)],
                            acc.at[pl.ds(s * rows_per_tile + off, m)])
            off += m
        plsc.subcore_barrier()

        if n_main:
            lax.fori_loop(0, n_main // 6, ring_body, 0)
            drained = n_main - 4
            for j in range(n_main, ch_per_tile):
                gwait(j, j % 6)
                sfire(j, j % 6)
                if j - 3 > drained:
                    swait(j - 3, (j - 3) % 6)
                    drained = j - 3
                if j + 3 < ch_per_tile:
                    gfire(j + 3, (j + 3) % 6)
            for j in range(drained + 1, ch_per_tile):
                swait(j, j % 6)
        else:
            for j in range(ch_per_tile):
                gfire(j, 0)
                gwait(j, 0)
                pltpu.sync_copy(bufs[0], acc.at[tgt_v.at[j]], add=True)
        plsc.subcore_barrier()
        pltpu.sync_copy(
            acc.at[pl.ds(s * rows_per_tile, rows_per_tile)],
            out_hbm.at[pl.ds(s * rows_per_tile, rows_per_tile),
                       pl.ds(c * hd, hd)])

    return sc_scatter


def kernel(x, source, target, num_nodes, W):
    del num_nodes
    n, d = x.shape
    e = source.shape[0]
    hd = d // NC
    ch_per_tile = e // (C * NS)

    x2 = x.reshape(NC * n, hd)
    src32 = source.astype(jnp.int32)
    src_both = (NC * src32[None, :]
                + jnp.arange(NC, dtype=jnp.int32)[:, None]
                ).reshape(NC, NS, ch_per_tile, C)
    tgt3 = target.reshape(NS, ch_per_tile, C).astype(jnp.int32)
    sc_scatter = _make_sc_scatter(n, hd, ch_per_tile)
    summed = sc_scatter(x2, src_both, tgt3)
    return _combine_matmul(summed, W)

# --- scband reference (transcript-rebuilt; emitter-appended) ---
"""Pipeline reference for scband-gcnblock-68925635166995 (READ-ONLY COPY).

The authoritative reference and input builder live on the scoring server;
editing this copy changes nothing except your own understanding.
"""

import jax, jax.numpy as jnp
import numpy as np

N_NODES = 10000
N_EDGES = 320000
D_IN = 128
D_OUT = 128


def setup_inputs(seed: int = 0) -> dict:
    key = jax.random.key(seed)
    k_x, k_src, k_tgt, k_w = jax.random.split(key, 4)
    x = jax.random.normal(k_x, (N_NODES, D_IN), dtype=jnp.float32)
    source = jax.random.randint(k_src, (N_EDGES,), 0, N_NODES, dtype=jnp.int64) if jax.config.jax_enable_x64 else jax.random.randint(k_src, (N_EDGES,), 0, N_NODES, dtype=jnp.int32)
    target = jax.random.randint(k_tgt, (N_EDGES,), 0, N_NODES, dtype=jnp.int32)
    source = source.astype(jnp.int32)
    # Linear layer weight (PyTorch nn.Linear stores W as [out_features, in_features]); bias disabled (use_bias=False)
    bound = 1.0 / np.sqrt(D_IN)
    W = jax.random.uniform(k_w, (D_OUT, D_IN), minval=-bound, maxval=bound, dtype=jnp.float32)
    return {"x": x, "source": source, "target": target, "num_nodes": N_NODES, "W": W}


def reference(x, source, target, num_nodes, W):
    # LinearMessageCreator: project all nodes, then gather per-edge source rows
    h = x @ W.T                                   # (num_nodes, out_features)
    messages = jnp.take(h, source, axis=0)        # (num_edges, out_features) -- gather
    # SumAggregator: scatter-add messages into target nodes
    delta = jax.ops.segment_sum(messages, target, num_segments=x.shape[0])  # (num_nodes, out_features)
    delta = delta + jnp.zeros((), delta.dtype) * num_nodes
    # OnlyUpdate: return delta
    return delta

if __name__ == "__main__":
    import jax
    _d = setup_inputs()
    print(jax.jit(kernel)(*tuple(_d.values())))

</pallas_src>

<mosaic_0001>
#map = affine_map<(d0, d1) -> (0, 0)>
#map1 = affine_map<(d0, d1) -> (0, 0, 0, 0)>
#map2 = affine_map<(d0, d1) -> (0, 0, 0)>
module attributes {stable_mosaic.version = 14 : i64} {
  func.func @sc_scatter(%arg0: i32, %arg1: i32, %arg2: memref<20000x64xf32, #tpu.memory_space<hbm>>, %arg3: memref<2x16x160x125xi32, #tpu.memory_space<hbm>>, %arg4: memref<16x160x125xi32, #tpu.memory_space<hbm>>, %arg5: memref<10000x128xf32, #tpu.memory_space<hbm>>, %arg6: memref<160x125xi32, #tpu.memory_space<vmem>>, %arg7: memref<160x125xi32, #tpu.memory_space<vmem>>, %arg8: memref<125x64xf32, #tpu.memory_space<vmem>>, %arg9: memref<125x64xf32, #tpu.memory_space<vmem>>, %arg10: memref<125x64xf32, #tpu.memory_space<vmem>>, %arg11: memref<125x64xf32, #tpu.memory_space<vmem>>, %arg12: memref<125x64xf32, #tpu.memory_space<vmem>>, %arg13: memref<125x64xf32, #tpu.memory_space<vmem>>, %arg14: memref<10000x64xf32, #tpu.memory_space<vmem_shared>>, %arg15: memref<!tpu.dma_semaphore, #tpu.memory_space<semaphore_mem>>, %arg16: memref<!tpu.dma_semaphore, #tpu.memory_space<semaphore_mem>>, %arg17: memref<!tpu.dma_semaphore, #tpu.memory_space<semaphore_mem>>, %arg18: memref<!tpu.dma_semaphore, #tpu.memory_space<semaphore_mem>>, %arg19: memref<!tpu.dma_semaphore, #tpu.memory_space<semaphore_mem>>, %arg20: memref<!tpu.dma_semaphore, #tpu.memory_space<semaphore_mem>>, %arg21: memref<!tpu.dma_semaphore, #tpu.memory_space<semaphore_mem>>, %arg22: memref<!tpu.dma_semaphore, #tpu.memory_space<semaphore_mem>>, %arg23: memref<!tpu.dma_semaphore, #tpu.memory_space<semaphore_mem>>, %arg24: memref<!tpu.dma_semaphore, #tpu.memory_space<semaphore_mem>>, %arg25: memref<!tpu.dma_semaphore, #tpu.memory_space<semaphore_mem>>, %arg26: memref<!tpu.dma_semaphore, #tpu.memory_space<semaphore_mem>>) attributes {dimension_semantics = [#tpu.dimension_semantics<core_parallel>, #tpu.dimension_semantics<subcore_parallel>], iteration_bounds = array<i64: 2, 16>, scalar_prefetch = 0 : i64, scratch_operands = 21 : i64, tpu.core_type = #tpu.core_type<sc_vector_subcore>, window_params = [{transform_indices = #map}, {transform_indices = #map1}, {transform_indices = #map2}, {transform_indices = #map}]} {
    "tpu.region"() ({
      %run_scoped3A = tpu.sem_alloc : memref<!tpu.dma_semaphore, #tpu.memory_space<semaphore_mem>>
      %dma_start3A_168 = arith.constant 0 : i32
      %dma_start3A_169 = arith.constant 0 : i32
      %dma_start3A_170 = tpu.memref_slice %arg3[%arg0, %arg1, %dma_start3A_168, %dma_start3A_169] : memref<2x16x160x125xi32, #tpu.memory_space<hbm>> -> memref<1x1x160x125xi32, #tpu.memory_space<hbm>>
      %dma_start3A_171 = tpu.memref_squeeze %dma_start3A_170 : memref<1x1x160x125xi32, #tpu.memory_space<hbm>> -> memref<160x125xi32, #tpu.memory_space<hbm>>
      %dma_start3A_172 = arith.constant 0 : i32
      %dma_start3A_173 = arith.constant 0 : i32
      %dma_start3A_174 = tpu.memref_slice %arg3[%arg0, %arg1, %dma_start3A_172, %dma_start3A_173] : memref<2x16x160x125xi32, #tpu.memory_space<hbm>> -> memref<1x1x160x125xi32, #tpu.memory_space<hbm>>
      %dma_start3A_175 = tpu.memref_squeeze %dma_start3A_174 : memref<1x1x160x125xi32, #tpu.memory_space<hbm>> -> memref<160x125xi32, #tpu.memory_space<hbm>>
      tpu.enqueue_dma source(%dma_start3A_175 : memref<160x125xi32, #tpu.memory_space<hbm>>) target(%arg6 : memref<160x125xi32, #tpu.memory_space<vmem>>) target_semaphore(%run_scoped3A : memref<!tpu.dma_semaphore, #tpu.memory_space<semaphore_mem>>)
      %dma_wait3A_176 = arith.constant 0 : i32
      %dma_wait3A_177 = arith.constant 0 : i32
      %dma_wait3A_178 = tpu.memref_slice %arg3[%arg0, %arg1, %dma_wait3A_176, %dma_wait3A_177] : memref<2x16x160x125xi32, #tpu.memory_space<hbm>> -> memref<1x1x160x125xi32, #tpu.memory_space<hbm>>
      %dma_wait3A_179 = tpu.memref_squeeze %dma_wait3A_178 : memref<1x1x160x125xi32, #tpu.memory_space<hbm>> -> memref<160x125xi32, #tpu.memory_space<hbm>>
      %dma_wait3A_180 = arith.constant 0 : i32
      %dma_wait3A_181 = arith.constant 0 : i32
      %dma_wait3A_182 = tpu.memref_slice %arg3[%arg0, %arg1, %dma_wait3A_180, %dma_wait3A_181] : memref<2x16x160x125xi32, #tpu.memory_space<hbm>> -> memref<1x1x160x125xi32, #tpu.memory_space<hbm>>
      %dma_wait3A_183 = tpu.memref_squeeze %dma_wait3A_182 : memref<1x1x160x125xi32, #tpu.memory_space<hbm>> -> memref<160x125xi32, #tpu.memory_space<hbm>>
      tpu.wait_dma2 semaphore(%run_scoped3A : memref<!tpu.dma_semaphore, #tpu.memory_space<semaphore_mem>>) src(%dma_wait3A_183 : memref<160x125xi32, #tpu.memory_space<hbm>>) dst(%arg6 : memref<160x125xi32, #tpu.memory_space<vmem>>)
      tpu.yield
    }) : () -> ()
    "tpu.region"() ({
      %run_scoped3A = tpu.sem_alloc : memref<!tpu.dma_semaphore, #tpu.memory_space<semaphore_mem>>
      %dma_start3A_168 = arith.constant 0 : i32
      %dma_start3A_169 = arith.constant 0 : i32
      %dma_start3A_170 = tpu.memref_slice %arg4[%arg1, %dma_start3A_168, %dma_start3A_169] : memref<16x160x125xi32, #tpu.memory_space<hbm>> -> memref<1x160x125xi32, #tpu.memory_space<hbm>>
      %dma_start3A_171 = tpu.memref_squeeze %dma_start3A_170 : memref<1x160x125xi32, #tpu.memory_space<hbm>> -> memref<160x125xi32, #tpu.memory_space<hbm>>
      %dma_start3A_172 = arith.constant 0 : i32
      %dma_start3A_173 = arith.constant 0 : i32
      %dma_start3A_174 = tpu.memref_slice %arg4[%arg1, %dma_start3A_172, %dma_start3A_173] : memref<16x160x125xi32, #tpu.memory_space<hbm>> -> memref<1x160x125xi32, #tpu.memory_space<hbm>>
      %dma_start3A_175 = tpu.memref_squeeze %dma_start3A_174 : memref<1x160x125xi32, #tpu.memory_space<hbm>> -> memref<160x125xi32, #tpu.memory_space<hbm>>
      tpu.enqueue_dma source(%dma_start3A_175 : memref<160x125xi32, #tpu.memory_space<hbm>>) target(%arg7 : memref<160x125xi32, #tpu.memory_space<vmem>>) target_semaphore(%run_scoped3A : memref<!tpu.dma_semaphore, #tpu.memory_space<semaphore_mem>>)
      %dma_wait3A_176 = arith.constant 0 : i32
      %dma_wait3A_177 = arith.constant 0 : i32
      %dma_wait3A_178 = tpu.memref_slice %arg4[%arg1, %dma_wait3A_176, %dma_wait3A_177] : memref<16x160x125xi32, #tpu.memory_space<hbm>> -> memref<1x160x125xi32, #tpu.memory_space<hbm>>
      %dma_wait3A_179 = tpu.memref_squeeze %dma_wait3A_178 : memref<1x160x125xi32, #tpu.memory_space<hbm>> -> memref<160x125xi32, #tpu.memory_space<hbm>>
      %dma_wait3A_180 = arith.constant 0 : i32
      %dma_wait3A_181 = arith.constant 0 : i32
      %dma_wait3A_182 = tpu.memref_slice %arg4[%arg1, %dma_wait3A_180, %dma_wait3A_181] : memref<16x160x125xi32, #tpu.memory_space<hbm>> -> memref<1x160x125xi32, #tpu.memory_space<hbm>>
      %dma_wait3A_183 = tpu.memref_squeeze %dma_wait3A_182 : memref<1x160x125xi32, #tpu.memory_space<hbm>> -> memref<160x125xi32, #tpu.memory_space<hbm>>
      tpu.wait_dma2 semaphore(%run_scoped3A : memref<!tpu.dma_semaphore, #tpu.memory_space<semaphore_mem>>) src(%dma_wait3A_183 : memref<160x125xi32, #tpu.memory_space<hbm>>) dst(%arg7 : memref<160x125xi32, #tpu.memory_space<vmem>>)
      tpu.yield
    }) : () -> ()
    %dma_start3A = arith.constant 0 : i32
    %dma_start3A_0 = arith.constant 0 : i32
    %dma_start3A_1 = tpu.memref_slice %arg6[%dma_start3A, %dma_start3A_0] : memref<160x125xi32, #tpu.memory_space<vmem>> -> memref<1x125xi32, #tpu.memory_space<vmem>>
    %dma_start3A_2 = tpu.memref_squeeze %dma_start3A_1 : memref<1x125xi32, #tpu.memory_space<vmem>> -> memref<125xi32, #tpu.memory_space<vmem>>
    %dma_start3A_3 = arith.constant 0 : i32
    %dma_start3A_4 = arith.constant 0 : i32
    %dma_start3A_5 = tpu.memref_slice %arg2[%dma_start3A_3, %dma_start3A_4] : memref<20000x64xf32, #tpu.memory_space<hbm>> -> memref<20000x64xf32, #tpu.memory_space<hbm>>
    tpu.enqueue_indirect_dma source(%dma_start3A_5 : memref<20000x64xf32, #tpu.memory_space<hbm>>) target(%arg8 : memref<125x64xf32, #tpu.memory_space<vmem>>) offsets(%dma_start3A_2 : memref<125xi32, #tpu.memory_space<vmem>>) semaphore(%arg15 : memref<!tpu.dma_semaphore, #tpu.memory_space<semaphore_mem>>)
    %dma_start3A_6 = arith.constant 1 : i32
    %dma_start3A_7 = arith.constant 0 : i32
    %dma_start3A_8 = tpu.memref_slice %arg6[%dma_start3A_6, %dma_start3A_7] : memref<160x125xi32, #tpu.memory_space<vmem>> -> memref<1x125xi32, #tpu.memory_space<vmem>>
    %dma_start3A_9 = tpu.memref_squeeze %dma_start3A_8 : memref<1x125xi32, #tpu.memory_space<vmem>> -> memref<125xi32, #tpu.memory_space<vmem>>
    %dma_start3A_10 = arith.constant 0 : i32
    %dma_start3A_11 = arith.constant 0 : i32
    %dma_start3A_12 = tpu.memref_slice %arg2[%dma_start3A_10, %dma_start3A_11] : memref<20000x64xf32, #tpu.memory_space<hbm>> -> memref<20000x64xf32, #tpu.memory_space<hbm>>
    tpu.enqueue_indirect_dma source(%dma_start3A_12 : memref<20000x64xf32, #tpu.memory_space<hbm>>) target(%arg9 : memref<125x64xf32, #tpu.memory_space<vmem>>) offsets(%dma_start3A_9 : memref<125xi32, #tpu.memory_space<vmem>>) semaphore(%arg16 : memref<!tpu.dma_semaphore, #tpu.memory_space<semaphore_mem>>)
    %dma_start3A_13 = arith.constant 2 : i32
    %dma_start3A_14 = arith.constant 0 : i32
    %dma_start3A_15 = tpu.memref_slice %arg6[%dma_start3A_13, %dma_start3A_14] : memref<160x125xi32, #tpu.memory_space<vmem>> -> memref<1x125xi32, #tpu.memory_space<vmem>>
    %dma_start3A_16 = tpu.memref_squeeze %dma_start3A_15 : memref<1x125xi32, #tpu.memory_space<vmem>> -> memref<125xi32, #tpu.memory_space<vmem>>
    %dma_start3A_17 = arith.constant 0 : i32
    %dma_start3A_18 = arith.constant 0 : i32
    %dma_start3A_19 = tpu.memref_slice %arg2[%dma_start3A_17, %dma_start3A_18] : memref<20000x64xf32, #tpu.memory_space<hbm>> -> memref<20000x64xf32, #tpu.memory_space<hbm>>
    tpu.enqueue_indirect_dma source(%dma_start3A_19 : memref<20000x64xf32, #tpu.memory_space<hbm>>) target(%arg10 : memref<125x64xf32, #tpu.memory_space<vmem>>) offsets(%dma_start3A_16 : memref<125xi32, #tpu.memory_space<vmem>>) semaphore(%arg17 : memref<!tpu.dma_semaphore, #tpu.memory_space<semaphore_mem>>)
    %broadcast_in_dim3A = arith.constant 0.000000e+00 : f32
    %broadcast_in_dim3A_20 = vector.broadcast %broadcast_in_dim3A : f32 to vector<16xf32>
    %scan3A = arith.constant 0 : i32
    %scan3A_21 = arith.constant 0 : i32
    %scan3A_22 = arith.constant 125 : i32
    %scan3A_23 = arith.addi %scan3A_21, %scan3A_22 : i32
    %scan3A_24 = arith.constant 1 : i32
    scf.for %scan3A_168 = %scan3A_21 to %scan3A_23 step %scan3A_24  : i32 {
      %swap3A = arith.index_cast %scan3A_168 : i32 to index
      %swap3A_169 = arith.constant 0 : index
      %swap3A_170 = tpu.vector_load %arg13[%swap3A, %swap3A_169] {strides = array<i32>} : memref<125x64xf32, #tpu.memory_space<vmem>>, vector<1x16xf32>,
      %swap3A_171 = vector.shape_cast %swap3A_170 : vector<1x16xf32> to vector<16xf32>
      %swap3A_172 = vector.shape_cast %broadcast_in_dim3A_20 : vector<16xf32> to vector<1x16xf32>
      tpu.vector_store %arg13[%swap3A, %swap3A_169], %swap3A_172 {strides = array<i32>} : memref<125x64xf32, #tpu.memory_space<vmem>>, vector<1x16xf32>,
      %swap3A_173 = arith.index_cast %scan3A_168 : i32 to index
      %swap3A_174 = arith.constant 16 : index
      %swap3A_175 = tpu.vector_load %arg13[%swap3A_173, %swap3A_174] {strides = array<i32>} : memref<125x64xf32, #tpu.memory_space<vmem>>, vector<1x16xf32>,
      %swap3A_176 = vector.shape_cast %swap3A_175 : vector<1x16xf32> to vector<16xf32>
      %swap3A_177 = vector.shape_cast %broadcast_in_dim3A_20 : vector<16xf32> to vector<1x16xf32>
      tpu.vector_store %arg13[%swap3A_173, %swap3A_174], %swap3A_177 {strides = array<i32>} : memref<125x64xf32, #tpu.memory_space<vmem>>, vector<1x16xf32>,
      %swap3A_178 = arith.index_cast %scan3A_168 : i32 to index
      %swap3A_179 = arith.constant 32 : index
      %swap3A_180 = tpu.vector_load %arg13[%swap3A_178, %swap3A_179] {strides = array<i32>} : memref<125x64xf32, #tpu.memory_space<vmem>>, vector<1x16xf32>,
      %swap3A_181 = vector.shape_cast %swap3A_180 : vector<1x16xf32> to vector<16xf32>
      %swap3A_182 = vector.shape_cast %broadcast_in_dim3A_20 : vector<16xf32> to vector<1x16xf32>
      tpu.vector_store %arg13[%swap3A_178, %swap3A_179], %swap3A_182 {strides = array<i32>} : memref<125x64xf32, #tpu.memory_space<vmem>>, vector<1x16xf32>,
      %swap3A_183 = arith.index_cast %scan3A_168 : i32 to index
      %swap3A_184 = arith.constant 48 : index
      %swap3A_185 = tpu.vector_load %arg13[%swap3A_183, %swap3A_184] {strides = array<i32>} : memref<125x64xf32, #tpu.memory_space<vmem>>, vector<1x16xf32>,
      %swap3A_186 = vector.shape_cast %swap3A_185 : vector<1x16xf32> to vector<16xf32>
      %swap3A_187 = vector.shape_cast %broadcast_in_dim3A_20 : vector<16xf32> to vector<1x16xf32>
      tpu.vector_store %arg13[%swap3A_183, %swap3A_184], %swap3A_187 {strides = array<i32>} : memref<125x64xf32, #tpu.memory_space<vmem>>, vector<1x16xf32>,
    }
    %scan3A_25 = arith.constant 125 : i32
    %mul3A = arith.constant 625 : i32
    %mul3A_26 = arith.muli %arg1, %mul3A : i32
    %add3A = arith.constant 0 : i32
    %add3A_27 = arith.addi %mul3A_26, %add3A : i32
    "tpu.region"() ({
      %run_scoped3A = tpu.sem_alloc : memref<!tpu.dma_semaphore, #tpu.memory_space<semaphore_mem>>
      %dma_start3A_168 = arith.constant 0 : i32
      %dma_start3A_169 = arith.constant 0 : i32
      %dma_start3A_170 = tpu.memref_slice %arg13[%dma_start3A_168, %dma_start3A_169] : memref<125x64xf32, #tpu.memory_space<vmem>> -> memref<125x64xf32, #tpu.memory_space<vmem>>
      %dma_start3A_171 = arith.constant 0 : i32
      %dma_start3A_172 = tpu.memref_slice %arg14[%add3A_27, %dma_start3A_171] : memref<10000x64xf32, #tpu.memory_space<vmem_shared>> -> memref<125x64xf32, #tpu.memory_space<vmem_shared>>
      %dma_start3A_173 = arith.constant 0 : i32
      %dma_start3A_174 = tpu.memref_slice %arg14[%add3A_27, %dma_start3A_173] : memref<10000x64xf32, #tpu.memory_space<vmem_shared>> -> memref<125x64xf32, #tpu.memory_space<vmem_shared>>
      %dma_start3A_175 = arith.constant 0 : i32
      %dma_start3A_176 = arith.constant 0 : i32
      %dma_start3A_177 = tpu.memref_slice %arg13[%dma_start3A_175, %dma_start3A_176] : memref<125x64xf32, #tpu.memory_space<vmem>> -> memref<125x64xf32, #tpu.memory_space<vmem>>
      tpu.enqueue_dma source(%dma_start3A_177 : memref<125x64xf32, #tpu.memory_space<vmem>>) target(%dma_start3A_174 : memref<125x64xf32, #tpu.memory_space<vmem_shared>>) target_semaphore(%run_scoped3A : memref<!tpu.dma_semaphore, #tpu.memory_space<semaphore_mem>>)
      %dma_wait3A_178 = arith.constant 0 : i32
      %dma_wait3A_179 = arith.constant 0 : i32
      %dma_wait3A_180 = tpu.memref_slice %arg13[%dma_wait3A_178, %dma_wait3A_179] : memref<125x64xf32, #tpu.memory_space<vmem>> -> memref<125x64xf32, #tpu.memory_space<vmem>>
      %dma_wait3A_181 = arith.constant 0 : i32
      %dma_wait3A_182 = tpu.memref_slice %arg14[%add3A_27, %dma_wait3A_181] : memref<10000x64xf32, #tpu.memory_space<vmem_shared>> -> memref<125x64xf32, #tpu.memory_space<vmem_shared>>
      %dma_wait3A_183 = arith.constant 0 : i32
      %dma_wait3A_184 = tpu.memref_slice %arg14[%add3A_27, %dma_wait3A_183] : memref<10000x64xf32, #tpu.memory_space<vmem_shared>> -> memref<125x64xf32, #tpu.memory_space<vmem_shared>>
      %dma_wait3A_185 = arith.constant 0 : i32
      %dma_wait3A_186 = arith.constant 0 : i32
      %dma_wait3A_187 = tpu.memref_slice %arg13[%dma_wait3A_185, %dma_wait3A_186] : memref<125x64xf32, #tpu.memory_space<vmem>> -> memref<125x64xf32, #tpu.memory_space<vmem>>
      tpu.wait_dma2 semaphore(%run_scoped3A : memref<!tpu.dma_semaphore, #tpu.memory_space<semaphore_mem>>) src(%dma_wait3A_187 : memref<125x64xf32, #tpu.memory_space<vmem>>) dst(%dma_wait3A_184 : memref<125x64xf32, #tpu.memory_space<vmem_shared>>)
      tpu.yield
    }) : () -> ()
    %mul3A_28 = arith.constant 625 : i32
    %mul3A_29 = arith.muli %arg1, %mul3A_28 : i32
    %add3A_30 = arith.constant 125 : i32
    %add3A_31 = arith.addi %mul3A_29, %add3A_30 : i32
    "tpu.region"() ({
      %run_scoped3A = tpu.sem_alloc : memref<!tpu.dma_semaphore, #tpu.memory_space<semaphore_mem>>
      %dma_start3A_168 = arith.constant 0 : i32
      %dma_start3A_169 = arith.constant 0 : i32
      %dma_start3A_170 = tpu.memref_slice %arg13[%dma_start3A_168, %dma_start3A_169] : memref<125x64xf32, #tpu.memory_space<vmem>> -> memref<125x64xf32, #tpu.memory_space<vmem>>
      %dma_start3A_171 = arith.constant 0 : i32
      %dma_start3A_172 = tpu.memref_slice %arg14[%add3A_31, %dma_start3A_171] : memref<10000x64xf32, #tpu.memory_space<vmem_shared>> -> memref<125x64xf32, #tpu.memory_space<vmem_shared>>
      %dma_start3A_173 = arith.constant 0 : i32
      %dma_start3A_174 = tpu.memref_slice %arg14[%add3A_31, %dma_start3A_173] : memref<10000x64xf32, #tpu.memory_space<vmem_shared>> -> memref<125x64xf32, #tpu.memory_space<vmem_shared>>
      %dma_start3A_175 = arith.constant 0 : i32
      %dma_start3A_176 = arith.constant 0 : i32
      %dma_start3A_177 = tpu.memref_slice %arg13[%dma_start3A_175, %dma_start3A_176] : memref<125x64xf32, #tpu.memory_space<vmem>> -> memref<125x64xf32, #tpu.memory_space<vmem>>
      tpu.enqueue_dma source(%dma_start3A_177 : memref<125x64xf32, #tpu.memory_space<vmem>>) target(%dma_start3A_174 : memref<125x64xf32, #tpu.memory_space<vmem_shared>>) target_semaphore(%run_scoped3A : memref<!tpu.dma_semaphore, #tpu.memory_space<semaphore_mem>>)
      %dma_wait3A_178 = arith.constant 0 : i32
      %dma_wait3A_179 = arith.constant 0 : i32
      %dma_wait3A_180 = tpu.memref_slice %arg13[%dma_wait3A_178, %dma_wait3A_179] : memref<125x64xf32, #tpu.memory_space<vmem>> -> memref<125x64xf32, #tpu.memory_space<vmem>>
      %dma_wait3A_181 = arith.constant 0 : i32
      %dma_wait3A_182 = tpu.memref_slice %arg14[%add3A_31, %dma_wait3A_181] : memref<10000x64xf32, #tpu.memory_space<vmem_shared>> -> memref<125x64xf32, #tpu.memory_space<vmem_shared>>
      %dma_wait3A_183 = arith.constant 0 : i32
      %dma_wait3A_184 = tpu.memref_slice %arg14[%add3A_31, %dma_wait3A_183] : memref<10000x64xf32, #tpu.memory_space<vmem_shared>> -> memref<125x64xf32, #tpu.memory_space<vmem_shared>>
      %dma_wait3A_185 = arith.constant 0 : i32
      %dma_wait3A_186 = arith.constant 0 : i32
      %dma_wait3A_187 = tpu.memref_slice %arg13[%dma_wait3A_185, %dma_wait3A_186] : memref<125x64xf32, #tpu.memory_space<vmem>> -> memref<125x64xf32, #tpu.memory_space<vmem>>
      tpu.wait_dma2 semaphore(%run_scoped3A : memref<!tpu.dma_semaphore, #tpu.memory_space<semaphore_mem>>) src(%dma_wait3A_187 : memref<125x64xf32, #tpu.memory_space<vmem>>) dst(%dma_wait3A_184 : memref<125x64xf32, #tpu.memory_space<vmem_shared>>)
      tpu.yield
    }) : () -> ()
    %mul3A_32 = arith.constant 625 : i32
    %mul3A_33 = arith.muli %arg1, %mul3A_32 : i32
    %add3A_34 = arith.constant 250 : i32
    %add3A_35 = arith.addi %mul3A_33, %add3A_34 : i32
    "tpu.region"() ({
      %run_scoped3A = tpu.sem_alloc : memref<!tpu.dma_semaphore, #tpu.memory_space<semaphore_mem>>
      %dma_start3A_168 = arith.constant 0 : i32
      %dma_start3A_169 = arith.constant 0 : i32
      %dma_start3A_170 = tpu.memref_slice %arg13[%dma_start3A_168, %dma_start3A_169] : memref<125x64xf32, #tpu.memory_space<vmem>> -> memref<125x64xf32, #tpu.memory_space<vmem>>
      %dma_start3A_171 = arith.constant 0 : i32
      %dma_start3A_172 = tpu.memref_slice %arg14[%add3A_35, %dma_start3A_171] : memref<10000x64xf32, #tpu.memory_space<vmem_shared>> -> memref<125x64xf32, #tpu.memory_space<vmem_shared>>
      %dma_start3A_173 = arith.constant 0 : i32
      %dma_start3A_174 = tpu.memref_slice %arg14[%add3A_35, %dma_start3A_173] : memref<10000x64xf32, #tpu.memory_space<vmem_shared>> -> memref<125x64xf32, #tpu.memory_space<vmem_shared>>
      %dma_start3A_175 = arith.constant 0 : i32
      %dma_start3A_176 = arith.constant 0 : i32
      %dma_start3A_177 = tpu.memref_slice %arg13[%dma_start3A_175, %dma_start3A_176] : memref<125x64xf32, #tpu.memory_space<vmem>> -> memref<125x64xf32, #tpu.memory_space<vmem>>
      tpu.enqueue_dma source(%dma_start3A_177 : memref<125x64xf32, #tpu.memory_space<vmem>>) target(%dma_start3A_174 : memref<125x64xf32, #tpu.memory_space<vmem_shared>>) target_semaphore(%run_scoped3A : memref<!tpu.dma_semaphore, #tpu.memory_space<semaphore_mem>>)
      %dma_wait3A_178 = arith.constant 0 : i32
      %dma_wait3A_179 = arith.constant 0 : i32
      %dma_wait3A_180 = tpu.memref_slice %arg13[%dma_wait3A_178, %dma_wait3A_179] : memref<125x64xf32, #tpu.memory_space<vmem>> -> memref<125x64xf32, #tpu.memory_space<vmem>>
      %dma_wait3A_181 = arith.constant 0 : i32
      %dma_wait3A_182 = tpu.memref_slice %arg14[%add3A_35, %dma_wait3A_181] : memref<10000x64xf32, #tpu.memory_space<vmem_shared>> -> memref<125x64xf32, #tpu.memory_space<vmem_shared>>
      %dma_wait3A_183 = arith.constant 0 : i32
      %dma_wait3A_184 = tpu.memref_slice %arg14[%add3A_35, %dma_wait3A_183] : memref<10000x64xf32, #tpu.memory_space<vmem_shared>> -> memref<125x64xf32, #tpu.memory_space<vmem_shared>>
      %dma_wait3A_185 = arith.constant 0 : i32
      %dma_wait3A_186 = arith.constant 0 : i32
      %dma_wait3A_187 = tpu.memref_slice %arg13[%dma_wait3A_185, %dma_wait3A_186] : memref<125x64xf32, #tpu.memory_space<vmem>> -> memref<125x64xf32, #tpu.memory_space<vmem>>
      tpu.wait_dma2 semaphore(%run_scoped3A : memref<!tpu.dma_semaphore, #tpu.memory_space<semaphore_mem>>) src(%dma_wait3A_187 : memref<125x64xf32, #tpu.memory_space<vmem>>) dst(%dma_wait3A_184 : memref<125x64xf32, #tpu.memory_space<vmem_shared>>)
      tpu.yield
    }) : () -> ()
    %mul3A_36 = arith.constant 625 : i32
    %mul3A_37 = arith.muli %arg1, %mul3A_36 : i32
    %add3A_38 = arith.constant 375 : i32
    %add3A_39 = arith.addi %mul3A_37, %add3A_38 : i32
    "tpu.region"() ({
      %run_scoped3A = tpu.sem_alloc : memref<!tpu.dma_semaphore, #tpu.memory_space<semaphore_mem>>
      %dma_start3A_168 = arith.constant 0 : i32
      %dma_start3A_169 = arith.constant 0 : i32
      %dma_start3A_170 = tpu.memref_slice %arg13[%dma_start3A_168, %dma_start3A_169] : memref<125x64xf32, #tpu.memory_space<vmem>> -> memref<125x64xf32, #tpu.memory_space<vmem>>
      %dma_start3A_171 = arith.constant 0 : i32
      %dma_start3A_172 = tpu.memref_slice %arg14[%add3A_39, %dma_start3A_171] : memref<10000x64xf32, #tpu.memory_space<vmem_shared>> -> memref<125x64xf32, #tpu.memory_space<vmem_shared>>
      %dma_start3A_173 = arith.constant 0 : i32
      %dma_start3A_174 = tpu.memref_slice %arg14[%add3A_39, %dma_start3A_173] : memref<10000x64xf32, #tpu.memory_space<vmem_shared>> -> memref<125x64xf32, #tpu.memory_space<vmem_shared>>
      %dma_start3A_175 = arith.constant 0 : i32
      %dma_start3A_176 = arith.constant 0 : i32
      %dma_start3A_177 = tpu.memref_slice %arg13[%dma_start3A_175, %dma_start3A_176] : memref<125x64xf32, #tpu.memory_space<vmem>> -> memref<125x64xf32, #tpu.memory_space<vmem>>
      tpu.enqueue_dma source(%dma_start3A_177 : memref<125x64xf32, #tpu.memory_space<vmem>>) target(%dma_start3A_174 : memref<125x64xf32, #tpu.memory_space<vmem_shared>>) target_semaphore(%run_scoped3A : memref<!tpu.dma_semaphore, #tpu.memory_space<semaphore_mem>>)
      %dma_wait3A_178 = arith.constant 0 : i32
      %dma_wait3A_179 = arith.constant 0 : i32
      %dma_wait3A_180 = tpu.memref_slice %arg13[%dma_wait3A_178, %dma_wait3A_179] : memref<125x64xf32, #tpu.memory_space<vmem>> -> memref<125x64xf32, #tpu.memory_space<vmem>>
      %dma_wait3A_181 = arith.constant 0 : i32
      %dma_wait3A_182 = tpu.memref_slice %arg14[%add3A_39, %dma_wait3A_181] : memref<10000x64xf32, #tpu.memory_space<vmem_shared>> -> memref<125x64xf32, #tpu.memory_space<vmem_shared>>
      %dma_wait3A_183 = arith.constant 0 : i32
      %dma_wait3A_184 = tpu.memref_slice %arg14[%add3A_39, %dma_wait3A_183] : memref<10000x64xf32, #tpu.memory_space<vmem_shared>> -> memref<125x64xf32, #tpu.memory_space<vmem_shared>>
      %dma_wait3A_185 = arith.constant 0 : i32
      %dma_wait3A_186 = arith.constant 0 : i32
      %dma_wait3A_187 = tpu.memref_slice %arg13[%dma_wait3A_185, %dma_wait3A_186] : memref<125x64xf32, #tpu.memory_space<vmem>> -> memref<125x64xf32, #tpu.memory_space<vmem>>
      tpu.wait_dma2 semaphore(%run_scoped3A : memref<!tpu.dma_semaphore, #tpu.memory_space<semaphore_mem>>) src(%dma_wait3A_187 : memref<125x64xf32, #tpu.memory_space<vmem>>) dst(%dma_wait3A_184 : memref<125x64xf32, #tpu.memory_space<vmem_shared>>)
      tpu.yield
    }) : () -> ()
    %mul3A_40 = arith.constant 625 : i32
    %mul3A_41 = arith.muli %arg1, %mul3A_40 : i32
    %add3A_42 = arith.constant 500 : i32
    %add3A_43 = arith.addi %mul3A_41, %add3A_42 : i32
    "tpu.region"() ({
      %run_scoped3A = tpu.sem_alloc : memref<!tpu.dma_semaphore, #tpu.memory_space<semaphore_mem>>
      %dma_start3A_168 = arith.constant 0 : i32
      %dma_start3A_169 = arith.constant 0 : i32
      %dma_start3A_170 = tpu.memref_slice %arg13[%dma_start3A_168, %dma_start3A_169] : memref<125x64xf32, #tpu.memory_space<vmem>> -> memref<125x64xf32, #tpu.memory_space<vmem>>
      %dma_start3A_171 = arith.constant 0 : i32
      %dma_start3A_172 = tpu.memref_slice %arg14[%add3A_43, %dma_start3A_171] : memref<10000x64xf32, #tpu.memory_space<vmem_shared>> -> memref<125x64xf32, #tpu.memory_space<vmem_shared>>
      %dma_start3A_173 = arith.constant 0 : i32
      %dma_start3A_174 = tpu.memref_slice %arg14[%add3A_43, %dma_start3A_173] : memref<10000x64xf32, #tpu.memory_space<vmem_shared>> -> memref<125x64xf32, #tpu.memory_space<vmem_shared>>
      %dma_start3A_175 = arith.constant 0 : i32
      %dma_start3A_176 = arith.constant 0 : i32
      %dma_start3A_177 = tpu.memref_slice %arg13[%dma_start3A_175, %dma_start3A_176] : memref<125x64xf32, #tpu.memory_space<vmem>> -> memref<125x64xf32, #tpu.memory_space<vmem>>
      tpu.enqueue_dma source(%dma_start3A_177 : memref<125x64xf32, #tpu.memory_space<vmem>>) target(%dma_start3A_174 : memref<125x64xf32, #tpu.memory_space<vmem_shared>>) target_semaphore(%run_scoped3A : memref<!tpu.dma_semaphore, #tpu.memory_space<semaphore_mem>>)
      %dma_wait3A_178 = arith.constant 0 : i32
      %dma_wait3A_179 = arith.constant 0 : i32
      %dma_wait3A_180 = tpu.memref_slice %arg13[%dma_wait3A_178, %dma_wait3A_179] : memref<125x64xf32, #tpu.memory_space<vmem>> -> memref<125x64xf32, #tpu.memory_space<vmem>>
      %dma_wait3A_181 = arith.constant 0 : i32
      %dma_wait3A_182 = tpu.memref_slice %arg14[%add3A_43, %dma_wait3A_181] : memref<10000x64xf32, #tpu.memory_space<vmem_shared>> -> memref<125x64xf32, #tpu.memory_space<vmem_shared>>
      %dma_wait3A_183 = arith.constant 0 : i32
      %dma_wait3A_184 = tpu.memref_slice %arg14[%add3A_43, %dma_wait3A_183] : memref<10000x64xf32, #tpu.memory_space<vmem_shared>> -> memref<125x64xf32, #tpu.memory_space<vmem_shared>>
      %dma_wait3A_185 = arith.constant 0 : i32
      %dma_wait3A_186 = arith.constant 0 : i32
      %dma_wait3A_187 = tpu.memref_slice %arg13[%dma_wait3A_185, %dma_wait3A_186] : memref<125x64xf32, #tpu.memory_space<vmem>> -> memref<125x64xf32, #tpu.memory_space<vmem>>
      tpu.wait_dma2 semaphore(%run_scoped3A : memref<!tpu.dma_semaphore, #tpu.memory_space<semaphore_mem>>) src(%dma_wait3A_187 : memref<125x64xf32, #tpu.memory_space<vmem>>) dst(%dma_wait3A_184 : memref<125x64xf32, #tpu.memory_space<vmem_shared>>)
      tpu.yield
    }) : () -> ()
    %barrier3A = arith.constant 0 : index
    tpu.barrier barrier_id(%barrier3A)
    %scan3A_44 = arith.constant 0 : i32
    %scan3A_45 = arith.constant 0 : i32
    %scan3A_46 = arith.constant 26 : i32
    %scan3A_47 = arith.addi %scan3A_45, %scan3A_46 : i32
    %scan3A_48 = arith.constant 1 : i32
    scf.for %scan3A_168 = %scan3A_45 to %scan3A_47 step %scan3A_48  : i32 {
      %mul3A_169 = arith.constant 6 : i32
      %mul3A_170 = arith.muli %mul3A_169, %scan3A_168 : i32
      %add3A_171 = arith.constant 0 : i32
      %add3A_172 = arith.addi %mul3A_170, %add3A_171 : i32
      %dma_wait3A_173 = arith.constant 0 : i32
      %dma_wait3A_174 = tpu.memref_slice %arg6[%add3A_172, %dma_wait3A_173] : memref<160x125xi32, #tpu.memory_space<vmem>> -> memref<1x125xi32, #tpu.memory_space<vmem>>
      %dma_wait3A_175 = tpu.memref_squeeze %dma_wait3A_174 : memref<1x125xi32, #tpu.memory_space<vmem>> -> memref<125xi32, #tpu.memory_space<vmem>>
      %dma_wait3A_176 = arith.constant 0 : i32
      %dma_wait3A_177 = arith.constant 0 : i32
      %dma_wait3A_178 = tpu.memref_slice %arg2[%dma_wait3A_176, %dma_wait3A_177] : memref<20000x64xf32, #tpu.memory_space<hbm>> -> memref<20000x64xf32, #tpu.memory_space<hbm>>
      tpu.wait_indirect_dma semaphore(%arg15 : memref<!tpu.dma_semaphore, #tpu.memory_space<semaphore_mem>>) src(%dma_wait3A_178 : memref<20000x64xf32, #tpu.memory_space<hbm>>) dst(%arg8 : memref<125x64xf32, #tpu.memory_space<vmem>>)
      %dma_start3A_179 = arith.constant 0 : i32
      %dma_start3A_180 = tpu.memref_slice %arg7[%add3A_172, %dma_start3A_179] : memref<160x125xi32, #tpu.memory_space<vmem>> -> memref<1x125xi32, #tpu.memory_space<vmem>>
      %dma_start3A_181 = tpu.memref_squeeze %dma_start3A_180 : memref<1x125xi32, #tpu.memory_space<vmem>> -> memref<125xi32, #tpu.memory_space<vmem>>
      %dma_start3A_182 = arith.constant 0 : i32
      %dma_start3A_183 = arith.constant 0 : i32
      %dma_start3A_184 = tpu.memref_slice %arg14[%dma_start3A_182, %dma_start3A_183] : memref<10000x64xf32, #tpu.memory_space<vmem_shared>> -> memref<10000x64xf32, #tpu.memory_space<vmem_shared>>
      tpu.enqueue_indirect_dma source(%arg8 : memref<125x64xf32, #tpu.memory_space<vmem>>) target(%dma_start3A_184 : memref<10000x64xf32, #tpu.memory_space<vmem_shared>>) offsets(%dma_start3A_181 : memref<125xi32, #tpu.memory_space<vmem>>) semaphore(%arg21 : memref<!tpu.dma_semaphore, #tpu.memory_space<semaphore_mem>>) {add = true}
      %gt3A = arith.constant 0 : i32
      %gt3A_185 = arith.cmpi sgt, %scan3A_168, %gt3A : i32
      %convert_element_type3A = arith.extui %gt3A_185 : i1 to i32
      %cond3A = arith.constant 0 : i32
      %cond3A_186 = arith.cmpi ne, %convert_element_type3A, %cond3A : i32
      scf.if %cond3A_186 {
        %sub3A_341 = arith.constant 3 : i32
        %sub3A_342 = arith.subi %add3A_172, %sub3A_341 : i32
        %dma_wait3A_343 = arith.constant 0 : i32
        %dma_wait3A_344 = tpu.memref_slice %arg7[%sub3A_342, %dma_wait3A_343] : memref<160x125xi32, #tpu.memory_space<vmem>> -> memref<1x125xi32, #tpu.memory_space<vmem>>
        %dma_wait3A_345 = tpu.memref_squeeze %dma_wait3A_344 : memref<1x125xi32, #tpu.memory_space<vmem>> -> memref<125xi32, #tpu.memory_space<vmem>>
        %dma_wait3A_346 = arith.constant 0 : i32
        %dma_wait3A_347 = arith.constant 0 : i32
        %dma_wait3A_348 = tpu.memref_slice %arg14[%dma_wait3A_346, %dma_wait3A_347] : memref<10000x64xf32, #tpu.memory_space<vmem_shared>> -> memref<10000x64xf32, #tpu.memory_space<vmem_shared>>
        tpu.wait_indirect_dma semaphore(%arg24 : memref<!tpu.dma_semaphore, #tpu.memory_space<semaphore_mem>>) src(%arg11 : memref<125x64xf32, #tpu.memory_space<vmem>>) dst(%dma_wait3A_348 : memref<10000x64xf32, #tpu.memory_space<vmem_shared>>)
      } else {
      }
      %add3A_187 = arith.constant 3 : i32
      %add3A_188 = arith.addi %add3A_172, %add3A_187 : i32
      %lt3A = arith.constant 160 : i32
      %lt3A_189 = arith.cmpi slt, %add3A_188, %lt3A : i32
      %convert_element_type3A_190 = arith.extui %lt3A_189 : i1 to i32
      %cond3A_191 = arith.constant 0 : i32
      %cond3A_192 = arith.cmpi ne, %convert_element_type3A_190, %cond3A_191 : i32
      scf.if %cond3A_192 {
        %add3A_341 = arith.constant 3 : i32
        %add3A_342 = arith.addi %add3A_172, %add3A_341 : i32
        %dma_start3A_343 = arith.constant 0 : i32
        %dma_start3A_344 = tpu.memref_slice %arg6[%add3A_342, %dma_start3A_343] : memref<160x125xi32, #tpu.memory_space<vmem>> -> memref<1x125xi32, #tpu.memory_space<vmem>>
        %dma_start3A_345 = tpu.memref_squeeze %dma_start3A_344 : memref<1x125xi32, #tpu.memory_space<vmem>> -> memref<125xi32, #tpu.memory_space<vmem>>
        %dma_start3A_346 = arith.constant 0 : i32
        %dma_start3A_347 = arith.constant 0 : i32
        %dma_start3A_348 = tpu.memref_slice %arg2[%dma_start3A_346, %dma_start3A_347] : memref<20000x64xf32, #tpu.memory_space<hbm>> -> memref<20000x64xf32, #tpu.memory_space<hbm>>
        tpu.enqueue_indirect_dma source(%dma_start3A_348 : memref<20000x64xf32, #tpu.memory_space<hbm>>) target(%arg11 : memref<125x64xf32, #tpu.memory_space<vmem>>) offsets(%dma_start3A_345 : memref<125xi32, #tpu.memory_space<vmem>>) semaphore(%arg18 : memref<!tpu.dma_semaphore, #tpu.memory_space<semaphore_mem>>)
      } else {
      }
      %mul3A_193 = arith.constant 6 : i32
      %mul3A_194 = arith.muli %mul3A_193, %scan3A_168 : i32
      %add3A_195 = arith.constant 1 : i32
      %add3A_196 = arith.addi %mul3A_194, %add3A_195 : i32
      %dma_wait3A_197 = arith.constant 0 : i32
      %dma_wait3A_198 = tpu.memref_slice %arg6[%add3A_196, %dma_wait3A_197] : memref<160x125xi32, #tpu.memory_space<vmem>> -> memref<1x125xi32, #tpu.memory_space<vmem>>
      %dma_wait3A_199 = tpu.memref_squeeze %dma_wait3A_198 : memref<1x125xi32, #tpu.memory_space<vmem>> -> memref<125xi32, #tpu.memory_space<vmem>>
      %dma_wait3A_200 = arith.constant 0 : i32
      %dma_wait3A_201 = arith.constant 0 : i32
      %dma_wait3A_202 = tpu.memref_slice %arg2[%dma_wait3A_200, %dma_wait3A_201] : memref<20000x64xf32, #tpu.memory_space<hbm>> -> memref<20000x64xf32, #tpu.memory_space<hbm>>
      tpu.wait_indirect_dma semaphore(%arg16 : memref<!tpu.dma_semaphore, #tpu.memory_space<semaphore_mem>>) src(%dma_wait3A_202 : memref<20000x64xf32, #tpu.memory_space<hbm>>) dst(%arg9 : memref<125x64xf32, #tpu.memory_space<vmem>>)
      %dma_start3A_203 = arith.constant 0 : i32
      %dma_start3A_204 = tpu.memref_slice %arg7[%add3A_196, %dma_start3A_203] : memref<160x125xi32, #tpu.memory_space<vmem>> -> memref<1x125xi32, #tpu.memory_space<vmem>>
      %dma_start3A_205 = tpu.memref_squeeze %dma_start3A_204 : memref<1x125xi32, #tpu.memory_space<vmem>> -> memref<125xi32, #tpu.memory_space<vmem>>
      %dma_start3A_206 = arith.constant 0 : i32
      %dma_start3A_207 = arith.constant 0 : i32
      %dma_start3A_208 = tpu.memref_slice %arg14[%dma_start3A_206, %dma_start3A_207] : memref<10000x64xf32, #tpu.memory_space<vmem_shared>> -> memref<10000x64xf32, #tpu.memory_space<vmem_shared>>
      tpu.enqueue_indirect_dma source(%arg9 : memref<125x64xf32, #tpu.memory_space<vmem>>) target(%dma_start3A_208 : memref<10000x64xf32, #tpu.memory_space<vmem_shared>>) offsets(%dma_start3A_205 : memref<125xi32, #tpu.memory_space<vmem>>) semaphore(%arg22 : memref<!tpu.dma_semaphore, #tpu.memory_space<semaphore_mem>>) {add = true}
      %gt3A_209 = arith.constant 0 : i32
      %gt3A_210 = arith.cmpi sgt, %scan3A_168, %gt3A_209 : i32
      %convert_element_type3A_211 = arith.extui %gt3A_210 : i1 to i32
      %cond3A_212 = arith.constant 0 : i32
      %cond3A_213 = arith.cmpi ne, %convert_element_type3A_211, %cond3A_212 : i32
      scf.if %cond3A_213 {
        %sub3A_341 = arith.constant 3 : i32
        %sub3A_342 = arith.subi %add3A_196, %sub3A_341 : i32
        %dma_wait3A_343 = arith.constant 0 : i32
        %dma_wait3A_344 = tpu.memref_slice %arg7[%sub3A_342, %dma_wait3A_343] : memref<160x125xi32, #tpu.memory_space<vmem>> -> memref<1x125xi32, #tpu.memory_space<vmem>>
        %dma_wait3A_345 = tpu.memref_squeeze %dma_wait3A_344 : memref<1x125xi32, #tpu.memory_space<vmem>> -> memref<125xi32, #tpu.memory_space<vmem>>
        %dma_wait3A_346 = arith.constant 0 : i32
        %dma_wait3A_347 = arith.constant 0 : i32
        %dma_wait3A_348 = tpu.memref_slice %arg14[%dma_wait3A_346, %dma_wait3A_347] : memref<10000x64xf32, #tpu.memory_space<vmem_shared>> -> memref<10000x64xf32, #tpu.memory_space<vmem_shared>>
        tpu.wait_indirect_dma semaphore(%arg25 : memref<!tpu.dma_semaphore, #tpu.memory_space<semaphore_mem>>) src(%arg12 : memref<125x64xf32, #tpu.memory_space<vmem>>) dst(%dma_wait3A_348 : memref<10000x64xf32, #tpu.memory_space<vmem_shared>>)
      } else {
      }
      %add3A_214 = arith.constant 3 : i32
      %add3A_215 = arith.addi %add3A_196, %add3A_214 : i32
      %lt3A_216 = arith.constant 160 : i32
      %lt3A_217 = arith.cmpi slt, %add3A_215, %lt3A_216 : i32
      %convert_element_type3A_218 = arith.extui %lt3A_217 : i1 to i32
      %cond3A_219 = arith.constant 0 : i32
      %cond3A_220 = arith.cmpi ne, %convert_element_type3A_218, %cond3A_219 : i32
      scf.if %cond3A_220 {
        %add3A_341 = arith.constant 3 : i32
        %add3A_342 = arith.addi %add3A_196, %add3A_341 : i32
        %dma_start3A_343 = arith.constant 0 : i32
        %dma_start3A_344 = tpu.memref_slice %arg6[%add3A_342, %dma_start3A_343] : memref<160x125xi32, #tpu.memory_space<vmem>> -> memref<1x125xi32, #tpu.memory_space<vmem>>
        %dma_start3A_345 = tpu.memref_squeeze %dma_start3A_344 : memref<1x125xi32, #tpu.memory_space<vmem>> -> memref<125xi32, #tpu.memory_space<vmem>>
        %dma_start3A_346 = arith.constant 0 : i32
        %dma_start3A_347 = arith.constant 0 : i32
        %dma_start3A_348 = tpu.memref_slice %arg2[%dma_start3A_346, %dma_start3A_347] : memref<20000x64xf32, #tpu.memory_space<hbm>> -> memref<20000x64xf32, #tpu.memory_space<hbm>>
        tpu.enqueue_indirect_dma source(%dma_start3A_348 : memref<20000x64xf32, #tpu.memory_space<hbm>>) target(%arg12 : memref<125x64xf32, #tpu.memory_space<vmem>>) offsets(%dma_start3A_345 : memref<125xi32, #tpu.memory_space<vmem>>) semaphore(%arg19 : memref<!tpu.dma_semaphore, #tpu.memory_space<semaphore_mem>>)
      } else {
      }
      %mul3A_221 = arith.constant 6 : i32
      %mul3A_222 = arith.muli %mul3A_221, %scan3A_168 : i32
      %add3A_223 = arith.constant 2 : i32
      %add3A_224 = arith.addi %mul3A_222, %add3A_223 : i32
      %dma_wait3A_225 = arith.constant 0 : i32
      %dma_wait3A_226 = tpu.memref_slice %arg6[%add3A_224, %dma_wait3A_225] : memref<160x125xi32, #tpu.memory_space<vmem>> -> memref<1x125xi32, #tpu.memory_space<vmem>>
      %dma_wait3A_227 = tpu.memref_squeeze %dma_wait3A_226 : memref<1x125xi32, #tpu.memory_space<vmem>> -> memref<125xi32, #tpu.memory_space<vmem>>
      %dma_wait3A_228 = arith.constant 0 : i32
      %dma_wait3A_229 = arith.constant 0 : i32
      %dma_wait3A_230 = tpu.memref_slice %arg2[%dma_wait3A_228, %dma_wait3A_229] : memref<20000x64xf32, #tpu.memory_space<hbm>> -> memref<20000x64xf32, #tpu.memory_space<hbm>>
      tpu.wait_indirect_dma semaphore(%arg17 : memref<!tpu.dma_semaphore, #tpu.memory_space<semaphore_mem>>) src(%dma_wait3A_230 : memref<20000x64xf32, #tpu.memory_space<hbm>>) dst(%arg10 : memref<125x64xf32, #tpu.memory_space<vmem>>)
      %dma_start3A_231 = arith.constant 0 : i32
      %dma_start3A_232 = tpu.memref_slice %arg7[%add3A_224, %dma_start3A_231] : memref<160x125xi32, #tpu.memory_space<vmem>> -> memref<1x125xi32, #tpu.memory_space<vmem>>
      %dma_start3A_233 = tpu.memref_squeeze %dma_start3A_232 : memref<1x125xi32, #tpu.memory_space<vmem>> -> memref<125xi32, #tpu.memory_space<vmem>>
      %dma_start3A_234 = arith.constant 0 : i32
      %dma_start3A_235 = arith.constant 0 : i32
      %dma_start3A_236 = tpu.memref_slice %arg14[%dma_start3A_234, %dma_start3A_235] : memref<10000x64xf32, #tpu.memory_space<vmem_shared>> -> memref<10000x64xf32, #tpu.memory_space<vmem_shared>>
      tpu.enqueue_indirect_dma source(%arg10 : memref<125x64xf32, #tpu.memory_space<vmem>>) target(%dma_start3A_236 : memref<10000x64xf32, #tpu.memory_space<vmem_shared>>) offsets(%dma_start3A_233 : memref<125xi32, #tpu.memory_space<vmem>>) semaphore(%arg23 : memref<!tpu.dma_semaphore, #tpu.memory_space<semaphore_mem>>) {add = true}
      %gt3A_237 = arith.constant 0 : i32
      %gt3A_238 = arith.cmpi sgt, %scan3A_168, %gt3A_237 : i32
      %convert_element_type3A_239 = arith.extui %gt3A_238 : i1 to i32
      %cond3A_240 = arith.constant 0 : i32
      %cond3A_241 = arith.cmpi ne, %convert_element_type3A_239, %cond3A_240 : i32
      scf.if %cond3A_241 {
        %sub3A_341 = arith.constant 3 : i32
        %sub3A_342 = arith.subi %add3A_224, %sub3A_341 : i32
        %dma_wait3A_343 = arith.constant 0 : i32
        %dma_wait3A_344 = tpu.memref_slice %arg7[%sub3A_342, %dma_wait3A_343] : memref<160x125xi32, #tpu.memory_space<vmem>> -> memref<1x125xi32, #tpu.memory_space<vmem>>
        %dma_wait3A_345 = tpu.memref_squeeze %dma_wait3A_344 : memref<1x125xi32, #tpu.memory_space<vmem>> -> memref<125xi32, #tpu.memory_space<vmem>>
        %dma_wait3A_346 = arith.constant 0 : i32
        %dma_wait3A_347 = arith.constant 0 : i32
        %dma_wait3A_348 = tpu.memref_slice %arg14[%dma_wait3A_346, %dma_wait3A_347] : memref<10000x64xf32, #tpu.memory_space<vmem_shared>> -> memref<10000x64xf32, #tpu.memory_space<vmem_shared>>
        tpu.wait_indirect_dma semaphore(%arg26 : memref<!tpu.dma_semaphore, #tpu.memory_space<semaphore_mem>>) src(%arg13 : memref<125x64xf32, #tpu.memory_space<vmem>>) dst(%dma_wait3A_348 : memref<10000x64xf32, #tpu.memory_space<vmem_shared>>)
      } else {
      }
      %add3A_242 = arith.constant 3 : i32
      %add3A_243 = arith.addi %add3A_224, %add3A_242 : i32
      %lt3A_244 = arith.constant 160 : i32
      %lt3A_245 = arith.cmpi slt, %add3A_243, %lt3A_244 : i32
      %convert_element_type3A_246 = arith.extui %lt3A_245 : i1 to i32
      %cond3A_247 = arith.constant 0 : i32
      %cond3A_248 = arith.cmpi ne, %convert_element_type3A_246, %cond3A_247 : i32
      scf.if %cond3A_248 {
        %add3A_341 = arith.constant 3 : i32
        %add3A_342 = arith.addi %add3A_224, %add3A_341 : i32
        %dma_start3A_343 = arith.constant 0 : i32
        %dma_start3A_344 = tpu.memref_slice %arg6[%add3A_342, %dma_start3A_343] : memref<160x125xi32, #tpu.memory_space<vmem>> -> memref<1x125xi32, #tpu.memory_space<vmem>>
        %dma_start3A_345 = tpu.memref_squeeze %dma_start3A_344 : memref<1x125xi32, #tpu.memory_space<vmem>> -> memref<125xi32, #tpu.memory_space<vmem>>
        %dma_start3A_346 = arith.constant 0 : i32
        %dma_start3A_347 = arith.constant 0 : i32
        %dma_start3A_348 = tpu.memref_slice %arg2[%dma_start3A_346, %dma_start3A_347] : memref<20000x64xf32, #tpu.memory_space<hbm>> -> memref<20000x64xf32, #tpu.memory_space<hbm>>
        tpu.enqueue_indirect_dma source(%dma_start3A_348 : memref<20000x64xf32, #tpu.memory_space<hbm>>) target(%arg13 : memref<125x64xf32, #tpu.memory_space<vmem>>) offsets(%dma_start3A_345 : memref<125xi32, #tpu.memory_space<vmem>>) semaphore(%arg20 : memref<!tpu.dma_semaphore, #tpu.memory_space<semaphore_mem>>)
      } else {
      }
      %mul3A_249 = arith.constant 6 : i32
      %mul3A_250 = arith.muli %mul3A_249, %scan3A_168 : i32
      %add3A_251 = arith.constant 3 : i32
      %add3A_252 = arith.addi %mul3A_250, %add3A_251 : i32
      %dma_wait3A_253 = arith.constant 0 : i32
      %dma_wait3A_254 = tpu.memref_slice %arg6[%add3A_252, %dma_wait3A_253] : memref<160x125xi32, #tpu.memory_space<vmem>> -> memref<1x125xi32, #tpu.memory_space<vmem>>
      %dma_wait3A_255 = tpu.memref_squeeze %dma_wait3A_254 : memref<1x125xi32, #tpu.memory_space<vmem>> -> memref<125xi32, #tpu.memory_space<vmem>>
      %dma_wait3A_256 = arith.constant 0 : i32
      %dma_wait3A_257 = arith.constant 0 : i32
      %dma_wait3A_258 = tpu.memref_slice %arg2[%dma_wait3A_256, %dma_wait3A_257] : memref<20000x64xf32, #tpu.memory_space<hbm>> -> memref<20000x64xf32, #tpu.memory_space<hbm>>
      tpu.wait_indirect_dma semaphore(%arg18 : memref<!tpu.dma_semaphore, #tpu.memory_space<semaphore_mem>>) src(%dma_wait3A_258 : memref<20000x64xf32, #tpu.memory_space<hbm>>) dst(%arg11 : memref<125x64xf32, #tpu.memory_space<vmem>>)
      %dma_start3A_259 = arith.constant 0 : i32
      %dma_start3A_260 = tpu.memref_slice %arg7[%add3A_252, %dma_start3A_259] : memref<160x125xi32, #tpu.memory_space<vmem>> -> memref<1x125xi32, #tpu.memory_space<vmem>>
      %dma_start3A_261 = tpu.memref_squeeze %dma_start3A_260 : memref<1x125xi32, #tpu.memory_space<vmem>> -> memref<125xi32, #tpu.memory_space<vmem>>
      %dma_start3A_262 = arith.constant 0 : i32
      %dma_start3A_263 = arith.constant 0 : i32
      %dma_start3A_264 = tpu.memref_slice %arg14[%dma_start3A_262, %dma_start3A_263] : memref<10000x64xf32, #tpu.memory_space<vmem_shared>> -> memref<10000x64xf32, #tpu.memory_space<vmem_shared>>
      tpu.enqueue_indirect_dma source(%arg11 : memref<125x64xf32, #tpu.memory_space<vmem>>) target(%dma_start3A_264 : memref<10000x64xf32, #tpu.memory_space<vmem_shared>>) offsets(%dma_start3A_261 : memref<125xi32, #tpu.memory_space<vmem>>) semaphore(%arg24 : memref<!tpu.dma_semaphore, #tpu.memory_space<semaphore_mem>>) {add = true}
      %sub3A = arith.constant 3 : i32
      %sub3A_265 = arith.subi %add3A_252, %sub3A : i32
      %dma_wait3A_266 = arith.constant 0 : i32
      %dma_wait3A_267 = tpu.memref_slice %arg7[%sub3A_265, %dma_wait3A_266] : memref<160x125xi32, #tpu.memory_space<vmem>> -> memref<1x125xi32, #tpu.memory_space<vmem>>
      %dma_wait3A_268 = tpu.memref_squeeze %dma_wait3A_267 : memref<1x125xi32, #tpu.memory_space<vmem>> -> memref<125xi32, #tpu.memory_space<vmem>>
      %dma_wait3A_269 = arith.constant 0 : i32
      %dma_wait3A_270 = arith.constant 0 : i32
      %dma_wait3A_271 = tpu.memref_slice %arg14[%dma_wait3A_269, %dma_wait3A_270] : memref<10000x64xf32, #tpu.memory_space<vmem_shared>> -> memref<10000x64xf32, #tpu.memory_space<vmem_shared>>
      tpu.wait_indirect_dma semaphore(%arg21 : memref<!tpu.dma_semaphore, #tpu.memory_space<semaphore_mem>>) src(%arg8 : memref<125x64xf32, #tpu.memory_space<vmem>>) dst(%dma_wait3A_271 : memref<10000x64xf32, #tpu.memory_space<vmem_shared>>)
      %add3A_272 = arith.constant 3 : i32
      %add3A_273 = arith.addi %add3A_252, %add3A_272 : i32
      %lt3A_274 = arith.constant 160 : i32
      %lt3A_275 = arith.cmpi slt, %add3A_273, %lt3A_274 : i32
      %convert_element_type3A_276 = arith.extui %lt3A_275 : i1 to i32
      %cond3A_277 = arith.constant 0 : i32
      %cond3A_278 = arith.cmpi ne, %convert_element_type3A_276, %cond3A_277 : i32
      scf.if %cond3A_278 {
        %add3A_341 = arith.constant 3 : i32
        %add3A_342 = arith.addi %add3A_252, %add3A_341 : i32
        %dma_start3A_343 = arith.constant 0 : i32
        %dma_start3A_344 = tpu.memref_slice %arg6[%add3A_342, %dma_start3A_343] : memref<160x125xi32, #tpu.memory_space<vmem>> -> memref<1x125xi32, #tpu.memory_space<vmem>>
        %dma_start3A_345 = tpu.memref_squeeze %dma_start3A_344 : memref<1x125xi32, #tpu.memory_space<vmem>> -> memref<125xi32, #tpu.memory_space<vmem>>
        %dma_start3A_346 = arith.constant 0 : i32
        %dma_start3A_347 = arith.constant 0 : i32
        %dma_start3A_348 = tpu.memref_slice %arg2[%dma_start3A_346, %dma_start3A_347] : memref<20000x64xf32, #tpu.memory_space<hbm>> -> memref<20000x64xf32, #tpu.memory_space<hbm>>
        tpu.enqueue_indirect_dma source(%dma_start3A_348 : memref<20000x64xf32, #tpu.memory_space<hbm>>) target(%arg8 : memref<125x64xf32, #tpu.memory_space<vmem>>) offsets(%dma_start3A_345 : memref<125xi32, #tpu.memory_space<vmem>>) semaphore(%arg15 : memref<!tpu.dma_semaphore, #tpu.memory_space<semaphore_mem>>)
      } else {
      }
      %mul3A_279 = arith.constant 6 : i32
      %mul3A_280 = arith.muli %mul3A_279, %scan3A_168 : i32
      %add3A_281 = arith.constant 4 : i32
      %add3A_282 = arith.addi %mul3A_280, %add3A_281 : i32
      %dma_wait3A_283 = arith.constant 0 : i32
      %dma_wait3A_284 = tpu.memref_slice %arg6[%add3A_282, %dma_wait3A_283] : memref<160x125xi32, #tpu.memory_space<vmem>> -> memref<1x125xi32, #tpu.memory_space<vmem>>
      %dma_wait3A_285 = tpu.memref_squeeze %dma_wait3A_284 : memref<1x125xi32, #tpu.memory_space<vmem>> -> memref<125xi32, #tpu.memory_space<vmem>>
      %dma_wait3A_286 = arith.constant 0 : i32
      %dma_wait3A_287 = arith.constant 0 : i32
      %dma_wait3A_288 = tpu.memref_slice %arg2[%dma_wait3A_286, %dma_wait3A_287] : memref<20000x64xf32, #tpu.memory_space<hbm>> -> memref<20000x64xf32, #tpu.memory_space<hbm>>
      tpu.wait_indirect_dma semaphore(%arg19 : memref<!tpu.dma_semaphore, #tpu.memory_space<semaphore_mem>>) src(%dma_wait3A_288 : memref<20000x64xf32, #tpu.memory_space<hbm>>) dst(%arg12 : memref<125x64xf32, #tpu.memory_space<vmem>>)
      %dma_start3A_289 = arith.constant 0 : i32
      %dma_start3A_290 = tpu.memref_slice %arg7[%add3A_282, %dma_start3A_289] : memref<160x125xi32, #tpu.memory_space<vmem>> -> memref<1x125xi32, #tpu.memory_space<vmem>>
      %dma_start3A_291 = tpu.memref_squeeze %dma_start3A_290 : memref<1x125xi32, #tpu.memory_space<vmem>> -> memref<125xi32, #tpu.memory_space<vmem>>
      %dma_start3A_292 = arith.constant 0 : i32
      %dma_start3A_293 = arith.constant 0 : i32
      %dma_start3A_294 = tpu.memref_slice %arg14[%dma_start3A_292, %dma_start3A_293] : memref<10000x64xf32, #tpu.memory_space<vmem_shared>> -> memref<10000x64xf32, #tpu.memory_space<vmem_shared>>
      tpu.enqueue_indirect_dma source(%arg12 : memref<125x64xf32, #tpu.memory_space<vmem>>) target(%dma_start3A_294 : memref<10000x64xf32, #tpu.memory_space<vmem_shared>>) offsets(%dma_start3A_291 : memref<125xi32, #tpu.memory_space<vmem>>) semaphore(%arg25 : memref<!tpu.dma_semaphore, #tpu.memory_space<semaphore_mem>>) {add = true}
      %sub3A_295 = arith.constant 3 : i32
      %sub3A_296 = arith.subi %add3A_282, %sub3A_295 : i32
      %dma_wait3A_297 = arith.constant 0 : i32
      %dma_wait3A_298 = tpu.memref_slice %arg7[%sub3A_296, %dma_wait3A_297] : memref<160x125xi32, #tpu.memory_space<vmem>> -> memref<1x125xi32, #tpu.memory_space<vmem>>
      %dma_wait3A_299 = tpu.memref_squeeze %dma_wait3A_298 : memref<1x125xi32, #tpu.memory_space<vmem>> -> memref<125xi32, #tpu.memory_space<vmem>>
      %dma_wait3A_300 = arith.constant 0 : i32
      %dma_wait3A_301 = arith.constant 0 : i32
      %dma_wait3A_302 = tpu.memref_slice %arg14[%dma_wait3A_300, %dma_wait3A_301] : memref<10000x64xf32, #tpu.memory_space<vmem_shared>> -> memref<10000x64xf32, #tpu.memory_space<vmem_shared>>
      tpu.wait_indirect_dma semaphore(%arg22 : memref<!tpu.dma_semaphore, #tpu.memory_space<semaphore_mem>>) src(%arg9 : memref<125x64xf32, #tpu.memory_space<vmem>>) dst(%dma_wait3A_302 : memref<10000x64xf32, #tpu.memory_space<vmem_shared>>)
      %add3A_303 = arith.constant 3 : i32
      %add3A_304 = arith.addi %add3A_282, %add3A_303 : i32
      %lt3A_305 = arith.constant 160 : i32
      %lt3A_306 = arith.cmpi slt, %add3A_304, %lt3A_305 : i32
      %convert_element_type3A_307 = arith.extui %lt3A_306 : i1 to i32
      %cond3A_308 = arith.constant 0 : i32
      %cond3A_309 = arith.cmpi ne, %convert_element_type3A_307, %cond3A_308 : i32
      scf.if %cond3A_309 {
        %add3A_341 = arith.constant 3 : i32
        %add3A_342 = arith.addi %add3A_282, %add3A_341 : i32
        %dma_start3A_343 = arith.constant 0 : i32
        %dma_start3A_344 = tpu.memref_slice %arg6[%add3A_342, %dma_start3A_343] : memref<160x125xi32, #tpu.memory_space<vmem>> -> memref<1x125xi32, #tpu.memory_space<vmem>>
        %dma_start3A_345 = tpu.memref_squeeze %dma_start3A_344 : memref<1x125xi32, #tpu.memory_space<vmem>> -> memref<125xi32, #tpu.memory_space<vmem>>
        %dma_start3A_346 = arith.constant 0 : i32
        %dma_start3A_347 = arith.constant 0 : i32
        %dma_start3A_348 = tpu.memref_slice %arg2[%dma_start3A_346, %dma_start3A_347] : memref<20000x64xf32, #tpu.memory_space<hbm>> -> memref<20000x64xf32, #tpu.memory_space<hbm>>
        tpu.enqueue_indirect_dma source(%dma_start3A_348 : memref<20000x64xf32, #tpu.memory_space<hbm>>) target(%arg9 : memref<125x64xf32, #tpu.memory_space<vmem>>) offsets(%dma_start3A_345 : memref<125xi32, #tpu.memory_space<vmem>>) semaphore(%arg16 : memref<!tpu.dma_semaphore, #tpu.memory_space<semaphore_mem>>)
      } else {
      }
      %mul3A_310 = arith.constant 6 : i32
      %mul3A_311 = arith.muli %mul3A_310, %scan3A_168 : i32
      %add3A_312 = arith.constant 5 : i32
      %add3A_313 = arith.addi %mul3A_311, %add3A_312 : i32
      %dma_wait3A_314 = arith.constant 0 : i32
      %dma_wait3A_315 = tpu.memref_slice %arg6[%add3A_313, %dma_wait3A_314] : memref<160x125xi32, #tpu.memory_space<vmem>> -> memref<1x125xi32, #tpu.memory_space<vmem>>
      %dma_wait3A_316 = tpu.memref_squeeze %dma_wait3A_315 : memref<1x125xi32, #tpu.memory_space<vmem>> -> memref<125xi32, #tpu.memory_space<vmem>>
      %dma_wait3A_317 = arith.constant 0 : i32
      %dma_wait3A_318 = arith.constant 0 : i32
      %dma_wait3A_319 = tpu.memref_slice %arg2[%dma_wait3A_317, %dma_wait3A_318] : memref<20000x64xf32, #tpu.memory_space<hbm>> -> memref<20000x64xf32, #tpu.memory_space<hbm>>
      tpu.wait_indirect_dma semaphore(%arg20 : memref<!tpu.dma_semaphore, #tpu.memory_space<semaphore_mem>>) src(%dma_wait3A_319 : memref<20000x64xf32, #tpu.memory_space<hbm>>) dst(%arg13 : memref<125x64xf32, #tpu.memory_space<vmem>>)
      %dma_start3A_320 = arith.constant 0 : i32
      %dma_start3A_321 = tpu.memref_slice %arg7[%add3A_313, %dma_start3A_320] : memref<160x125xi32, #tpu.memory_space<vmem>> -> memref<1x125xi32, #tpu.memory_space<vmem>>
      %dma_start3A_322 = tpu.memref_squeeze %dma_start3A_321 : memref<1x125xi32, #tpu.memory_space<vmem>> -> memref<125xi32, #tpu.memory_space<vmem>>
      %dma_start3A_323 = arith.constant 0 : i32
      %dma_start3A_324 = arith.constant 0 : i32
      %dma_start3A_325 = tpu.memref_slice %arg14[%dma_start3A_323, %dma_start3A_324] : memref<10000x64xf32, #tpu.memory_space<vmem_shared>> -> memref<10000x64xf32, #tpu.memory_space<vmem_shared>>
      tpu.enqueue_indirect_dma source(%arg13 : memref<125x64xf32, #tpu.memory_space<vmem>>) target(%dma_start3A_325 : memref<10000x64xf32, #tpu.memory_space<vmem_shared>>) offsets(%dma_start3A_322 : memref<125xi32, #tpu.memory_space<vmem>>) semaphore(%arg26 : memref<!tpu.dma_semaphore, #tpu.memory_space<semaphore_mem>>) {add = true}
      %sub3A_326 = arith.constant 3 : i32
      %sub3A_327 = arith.subi %add3A_313, %sub3A_326 : i32
      %dma_wait3A_328 = arith.constant 0 : i32
      %dma_wait3A_329 = tpu.memref_slice %arg7[%sub3A_327, %dma_wait3A_328] : memref<160x125xi32, #tpu.memory_space<vmem>> -> memref<1x125xi32, #tpu.memory_space<vmem>>
      %dma_wait3A_330 = tpu.memref_squeeze %dma_wait3A_329 : memref<1x125xi32, #tpu.memory_space<vmem>> -> memref<125xi32, #tpu.memory_space<vmem>>
      %dma_wait3A_331 = arith.constant 0 : i32
      %dma_wait3A_332 = arith.constant 0 : i32
      %dma_wait3A_333 = tpu.memref_slice %arg14[%dma_wait3A_331, %dma_wait3A_332] : memref<10000x64xf32, #tpu.memory_space<vmem_shared>> -> memref<10000x64xf32, #tpu.memory_space<vmem_shared>>
      tpu.wait_indirect_dma semaphore(%arg23 : memref<!tpu.dma_semaphore, #tpu.memory_space<semaphore_mem>>) src(%arg10 : memref<125x64xf32, #tpu.memory_space<vmem>>) dst(%dma_wait3A_333 : memref<10000x64xf32, #tpu.memory_space<vmem_shared>>)
      %add3A_334 = arith.constant 3 : i32
      %add3A_335 = arith.addi %add3A_313, %add3A_334 : i32
      %lt3A_336 = arith.constant 160 : i32
      %lt3A_337 = arith.cmpi slt, %add3A_335, %lt3A_336 : i32
      %convert_element_type3A_338 = arith.extui %lt3A_337 : i1 to i32
      %cond3A_339 = arith.constant 0 : i32
      %cond3A_340 = arith.cmpi ne, %convert_element_type3A_338, %cond3A_339 : i32
      scf.if %cond3A_340 {
        %add3A_341 = arith.constant 3 : i32
        %add3A_342 = arith.addi %add3A_313, %add3A_341 : i32
        %dma_start3A_343 = arith.constant 0 : i32
        %dma_start3A_344 = tpu.memref_slice %arg6[%add3A_342, %dma_start3A_343] : memref<160x125xi32, #tpu.memory_space<vmem>> -> memref<1x125xi32, #tpu.memory_space<vmem>>
        %dma_start3A_345 = tpu.memref_squeeze %dma_start3A_344 : memref<1x125xi32, #tpu.memory_space<vmem>> -> memref<125xi32, #tpu.memory_space<vmem>>
        %dma_start3A_346 = arith.constant 0 : i32
        %dma_start3A_347 = arith.constant 0 : i32
        %dma_start3A_348 = tpu.memref_slice %arg2[%dma_start3A_346, %dma_start3A_347] : memref<20000x64xf32, #tpu.memory_space<hbm>> -> memref<20000x64xf32, #tpu.memory_space<hbm>>
        tpu.enqueue_indirect_dma source(%dma_start3A_348 : memref<20000x64xf32, #tpu.memory_space<hbm>>) target(%arg10 : memref<125x64xf32, #tpu.memory_space<vmem>>) offsets(%dma_start3A_345 : memref<125xi32, #tpu.memory_space<vmem>>) semaphore(%arg17 : memref<!tpu.dma_semaphore, #tpu.memory_space<semaphore_mem>>)
      } else {
      }
    }
    %scan3A_49 = arith.constant 26 : i32
    %dma_wait3A = arith.constant 156 : i32
    %dma_wait3A_50 = arith.constant 0 : i32
    %dma_wait3A_51 = tpu.memref_slice %arg6[%dma_wait3A, %dma_wait3A_50] : memref<160x125xi32, #tpu.memory_space<vmem>> -> memref<1x125xi32, #tpu.memory_space<vmem>>
    %dma_wait3A_52 = tpu.memref_squeeze %dma_wait3A_51 : memref<1x125xi32, #tpu.memory_space<vmem>> -> memref<125xi32, #tpu.memory_space<vmem>>
    %dma_wait3A_53 = arith.constant 0 : i32
    %dma_wait3A_54 = arith.constant 0 : i32
    %dma_wait3A_55 = tpu.memref_slice %arg2[%dma_wait3A_53, %dma_wait3A_54] : memref<20000x64xf32, #tpu.memory_space<hbm>> -> memref<20000x64xf32, #tpu.memory_space<hbm>>
    tpu.wait_indirect_dma semaphore(%arg15 : memref<!tpu.dma_semaphore, #tpu.memory_space<semaphore_mem>>) src(%dma_wait3A_55 : memref<20000x64xf32, #tpu.memory_space<hbm>>) dst(%arg8 : memref<125x64xf32, #tpu.memory_space<vmem>>)
    %dma_start3A_56 = arith.constant 156 : i32
    %dma_start3A_57 = arith.constant 0 : i32
    %dma_start3A_58 = tpu.memref_slice %arg7[%dma_start3A_56, %dma_start3A_57] : memref<160x125xi32, #tpu.memory_space<vmem>> -> memref<1x125xi32, #tpu.memory_space<vmem>>
    %dma_start3A_59 = tpu.memref_squeeze %dma_start3A_58 : memref<1x125xi32, #tpu.memory_space<vmem>> -> memref<125xi32, #tpu.memory_space<vmem>>
    %dma_start3A_60 = arith.constant 0 : i32
    %dma_start3A_61 = arith.constant 0 : i32
    %dma_start3A_62 = tpu.memref_slice %arg14[%dma_start3A_60, %dma_start3A_61] : memref<10000x64xf32, #tpu.memory_space<vmem_shared>> -> memref<10000x64xf32, #tpu.memory_space<vmem_shared>>
    tpu.enqueue_indirect_dma source(%arg8 : memref<125x64xf32, #tpu.memory_space<vmem>>) target(%dma_start3A_62 : memref<10000x64xf32, #tpu.memory_space<vmem_shared>>) offsets(%dma_start3A_59 : memref<125xi32, #tpu.memory_space<vmem>>) semaphore(%arg21 : memref<!tpu.dma_semaphore, #tpu.memory_space<semaphore_mem>>) {add = true}
    %dma_wait3A_63 = arith.constant 153 : i32
    %dma_wait3A_64 = arith.constant 0 : i32
    %dma_wait3A_65 = tpu.memref_slice %arg7[%dma_wait3A_63, %dma_wait3A_64] : memref<160x125xi32, #tpu.memory_space<vmem>> -> memref<1x125xi32, #tpu.memory_space<vmem>>
    %dma_wait3A_66 = tpu.memref_squeeze %dma_wait3A_65 : memref<1x125xi32, #tpu.memory_space<vmem>> -> memref<125xi32, #tpu.memory_space<vmem>>
    %dma_wait3A_67 = arith.constant 0 : i32
    %dma_wait3A_68 = arith.constant 0 : i32
    %dma_wait3A_69 = tpu.memref_slice %arg14[%dma_wait3A_67, %dma_wait3A_68] : memref<10000x64xf32, #tpu.memory_space<vmem_shared>> -> memref<10000x64xf32, #tpu.memory_space<vmem_shared>>
    tpu.wait_indirect_dma semaphore(%arg24 : memref<!tpu.dma_semaphore, #tpu.memory_space<semaphore_mem>>) src(%arg11 : memref<125x64xf32, #tpu.memory_space<vmem>>) dst(%dma_wait3A_69 : memref<10000x64xf32, #tpu.memory_space<vmem_shared>>)
    %dma_start3A_70 = arith.constant 159 : i32
    %dma_start3A_71 = arith.constant 0 : i32
    %dma_start3A_72 = tpu.memref_slice %arg6[%dma_start3A_70, %dma_start3A_71] : memref<160x125xi32, #tpu.memory_space<vmem>> -> memref<1x125xi32, #tpu.memory_space<vmem>>
    %dma_start3A_73 = tpu.memref_squeeze %dma_start3A_72 : memref<1x125xi32, #tpu.memory_space<vmem>> -> memref<125xi32, #tpu.memory_space<vmem>>
    %dma_start3A_74 = arith.constant 0 : i32
    %dma_start3A_75 = arith.constant 0 : i32
    %dma_start3A_76 = tpu.memref_slice %arg2[%dma_start3A_74, %dma_start3A_75] : memref<20000x64xf32, #tpu.memory_space<hbm>> -> memref<20000x64xf32, #tpu.memory_space<hbm>>
    tpu.enqueue_indirect_dma source(%dma_start3A_76 : memref<20000x64xf32, #tpu.memory_space<hbm>>) target(%arg11 : memref<125x64xf32, #tpu.memory_space<vmem>>) offsets(%dma_start3A_73 : memref<125xi32, #tpu.memory_space<vmem>>) semaphore(%arg18 : memref<!tpu.dma_semaphore, #tpu.memory_space<semaphore_mem>>)
    %dma_wait3A_77 = arith.constant 157 : i32
    %dma_wait3A_78 = arith.constant 0 : i32
    %dma_wait3A_79 = tpu.memref_slice %arg6[%dma_wait3A_77, %dma_wait3A_78] : memref<160x125xi32, #tpu.memory_space<vmem>> -> memref<1x125xi32, #tpu.memory_space<vmem>>
    %dma_wait3A_80 = tpu.memref_squeeze %dma_wait3A_79 : memref<1x125xi32, #tpu.memory_space<vmem>> -> memref<125xi32, #tpu.memory_space<vmem>>
    %dma_wait3A_81 = arith.constant 0 : i32
    %dma_wait3A_82 = arith.constant 0 : i32
    %dma_wait3A_83 = tpu.memref_slice %arg2[%dma_wait3A_81, %dma_wait3A_82] : memref<20000x64xf32, #tpu.memory_space<hbm>> -> memref<20000x64xf32, #tpu.memory_space<hbm>>
    tpu.wait_indirect_dma semaphore(%arg16 : memref<!tpu.dma_semaphore, #tpu.memory_space<semaphore_mem>>) src(%dma_wait3A_83 : memref<20000x64xf32, #tpu.memory_space<hbm>>) dst(%arg9 : memref<125x64xf32, #tpu.memory_space<vmem>>)
    %dma_start3A_84 = arith.constant 157 : i32
    %dma_start3A_85 = arith.constant 0 : i32
    %dma_start3A_86 = tpu.memref_slice %arg7[%dma_start3A_84, %dma_start3A_85] : memref<160x125xi32, #tpu.memory_space<vmem>> -> memref<1x125xi32, #tpu.memory_space<vmem>>
    %dma_start3A_87 = tpu.memref_squeeze %dma_start3A_86 : memref<1x125xi32, #tpu.memory_space<vmem>> -> memref<125xi32, #tpu.memory_space<vmem>>
    %dma_start3A_88 = arith.constant 0 : i32
    %dma_start3A_89 = arith.constant 0 : i32
    %dma_start3A_90 = tpu.memref_slice %arg14[%dma_start3A_88, %dma_start3A_89] : memref<10000x64xf32, #tpu.memory_space<vmem_shared>> -> memref<10000x64xf32, #tpu.memory_space<vmem_shared>>
    tpu.enqueue_indirect_dma source(%arg9 : memref<125x64xf32, #tpu.memory_space<vmem>>) target(%dma_start3A_90 : memref<10000x64xf32, #tpu.memory_space<vmem_shared>>) offsets(%dma_start3A_87 : memref<125xi32, #tpu.memory_space<vmem>>) semaphore(%arg22 : memref<!tpu.dma_semaphore, #tpu.memory_space<semaphore_mem>>) {add = true}
    %dma_wait3A_91 = arith.constant 154 : i32
    %dma_wait3A_92 = arith.constant 0 : i32
    %dma_wait3A_93 = tpu.memref_slice %arg7[%dma_wait3A_91, %dma_wait3A_92] : memref<160x125xi32, #tpu.memory_space<vmem>> -> memref<1x125xi32, #tpu.memory_space<vmem>>
    %dma_wait3A_94 = tpu.memref_squeeze %dma_wait3A_93 : memref<1x125xi32, #tpu.memory_space<vmem>> -> memref<125xi32, #tpu.memory_space<vmem>>
    %dma_wait3A_95 = arith.constant 0 : i32
    %dma_wait3A_96 = arith.constant 0 : i32
    %dma_wait3A_97 = tpu.memref_slice %arg14[%dma_wait3A_95, %dma_wait3A_96] : memref<10000x64xf32, #tpu.memory_space<vmem_shared>> -> memref<10000x64xf32, #tpu.memory_space<vmem_shared>>
    tpu.wait_indirect_dma semaphore(%arg25 : memref<!tpu.dma_semaphore, #tpu.memory_space<semaphore_mem>>) src(%arg12 : memref<125x64xf32, #tpu.memory_space<vmem>>) dst(%dma_wait3A_97 : memref<10000x64xf32, #tpu.memory_space<vmem_shared>>)
    %dma_wait3A_98 = arith.constant 158 : i32
    %dma_wait3A_99 = arith.constant 0 : i32
    %dma_wait3A_100 = tpu.memref_slice %arg6[%dma_wait3A_98, %dma_wait3A_99] : memref<160x125xi32, #tpu.memory_space<vmem>> -> memref<1x125xi32, #tpu.memory_space<vmem>>
    %dma_wait3A_101 = tpu.memref_squeeze %dma_wait3A_100 : memref<1x125xi32, #tpu.memory_space<vmem>> -> memref<125xi32, #tpu.memory_space<vmem>>
    %dma_wait3A_102 = arith.constant 0 : i32
    %dma_wait3A_103 = arith.constant 0 : i32
    %dma_wait3A_104 = tpu.memref_slice %arg2[%dma_wait3A_102, %dma_wait3A_103] : memref<20000x64xf32, #tpu.memory_space<hbm>> -> memref<20000x64xf32, #tpu.memory_space<hbm>>
    tpu.wait_indirect_dma semaphore(%arg17 : memref<!tpu.dma_semaphore, #tpu.memory_space<semaphore_mem>>) src(%dma_wait3A_104 : memref<20000x64xf32, #tpu.memory_space<hbm>>) dst(%arg10 : memref<125x64xf32, #tpu.memory_space<vmem>>)
    %dma_start3A_105 = arith.constant 158 : i32
    %dma_start3A_106 = arith.constant 0 : i32
    %dma_start3A_107 = tpu.memref_slice %arg7[%dma_start3A_105, %dma_start3A_106] : memref<160x125xi32, #tpu.memory_space<vmem>> -> memref<1x125xi32, #tpu.memory_space<vmem>>
    %dma_start3A_108 = tpu.memref_squeeze %dma_start3A_107 : memref<1x125xi32, #tpu.memory_space<vmem>> -> memref<125xi32, #tpu.memory_space<vmem>>
    %dma_start3A_109 = arith.constant 0 : i32
    %dma_start3A_110 = arith.constant 0 : i32
    %dma_start3A_111 = tpu.memref_slice %arg14[%dma_start3A_109, %dma_start3A_110] : memref<10000x64xf32, #tpu.memory_space<vmem_shared>> -> memref<10000x64xf32, #tpu.memory_space<vmem_shared>>
    tpu.enqueue_indirect_dma source(%arg10 : memref<125x64xf32, #tpu.memory_space<vmem>>) target(%dma_start3A_111 : memref<10000x64xf32, #tpu.memory_space<vmem_shared>>) offsets(%dma_start3A_108 : memref<125xi32, #tpu.memory_space<vmem>>) semaphore(%arg23 : memref<!tpu.dma_semaphore, #tpu.memory_space<semaphore_mem>>) {add = true}
    %dma_wait3A_112 = arith.constant 155 : i32
    %dma_wait3A_113 = arith.constant 0 : i32
    %dma_wait3A_114 = tpu.memref_slice %arg7[%dma_wait3A_112, %dma_wait3A_113] : memref<160x125xi32, #tpu.memory_space<vmem>> -> memref<1x125xi32, #tpu.memory_space<vmem>>
    %dma_wait3A_115 = tpu.memref_squeeze %dma_wait3A_114 : memref<1x125xi32, #tpu.memory_space<vmem>> -> memref<125xi32, #tpu.memory_space<vmem>>
    %dma_wait3A_116 = arith.constant 0 : i32
    %dma_wait3A_117 = arith.constant 0 : i32
    %dma_wait3A_118 = tpu.memref_slice %arg14[%dma_wait3A_116, %dma_wait3A_117] : memref<10000x64xf32, #tpu.memory_space<vmem_shared>> -> memref<10000x64xf32, #tpu.memory_space<vmem_shared>>
    tpu.wait_indirect_dma semaphore(%arg26 : memref<!tpu.dma_semaphore, #tpu.memory_space<semaphore_mem>>) src(%arg13 : memref<125x64xf32, #tpu.memory_space<vmem>>) dst(%dma_wait3A_118 : memref<10000x64xf32, #tpu.memory_space<vmem_shared>>)
    %dma_wait3A_119 = arith.constant 159 : i32
    %dma_wait3A_120 = arith.constant 0 : i32
    %dma_wait3A_121 = tpu.memref_slice %arg6[%dma_wait3A_119, %dma_wait3A_120] : memref<160x125xi32, #tpu.memory_space<vmem>> -> memref<1x125xi32, #tpu.memory_space<vmem>>
    %dma_wait3A_122 = tpu.memref_squeeze %dma_wait3A_121 : memref<1x125xi32, #tpu.memory_space<vmem>> -> memref<125xi32, #tpu.memory_space<vmem>>
    %dma_wait3A_123 = arith.constant 0 : i32
    %dma_wait3A_124 = arith.constant 0 : i32
    %dma_wait3A_125 = tpu.memref_slice %arg2[%dma_wait3A_123, %dma_wait3A_124] : memref<20000x64xf32, #tpu.memory_space<hbm>> -> memref<20000x64xf32, #tpu.memory_space<hbm>>
    tpu.wait_indirect_dma semaphore(%arg18 : memref<!tpu.dma_semaphore, #tpu.memory_space<semaphore_mem>>) src(%dma_wait3A_125 : memref<20000x64xf32, #tpu.memory_space<hbm>>) dst(%arg11 : memref<125x64xf32, #tpu.memory_space<vmem>>)
    %dma_start3A_126 = arith.constant 159 : i32
    %dma_start3A_127 = arith.constant 0 : i32
    %dma_start3A_128 = tpu.memref_slice %arg7[%dma_start3A_126, %dma_start3A_127] : memref<160x125xi32, #tpu.memory_space<vmem>> -> memref<1x125xi32, #tpu.memory_space<vmem>>
    %dma_start3A_129 = tpu.memref_squeeze %dma_start3A_128 : memref<1x125xi32, #tpu.memory_space<vmem>> -> memref<125xi32, #tpu.memory_space<vmem>>
    %dma_start3A_130 = arith.constant 0 : i32
    %dma_start3A_131 = arith.constant 0 : i32
    %dma_start3A_132 = tpu.memref_slice %arg14[%dma_start3A_130, %dma_start3A_131] : memref<10000x64xf32, #tpu.memory_space<vmem_shared>> -> memref<10000x64xf32, #tpu.memory_space<vmem_shared>>
    tpu.enqueue_indirect_dma source(%arg11 : memref<125x64xf32, #tpu.memory_space<vmem>>) target(%dma_start3A_132 : memref<10000x64xf32, #tpu.memory_space<vmem_shared>>) offsets(%dma_start3A_129 : memref<125xi32, #tpu.memory_space<vmem>>) semaphore(%arg24 : memref<!tpu.dma_semaphore, #tpu.memory_space<semaphore_mem>>) {add = true}
    %dma_wait3A_133 = arith.constant 156 : i32
    %dma_wait3A_134 = arith.constant 0 : i32
    %dma_wait3A_135 = tpu.memref_slice %arg7[%dma_wait3A_133, %dma_wait3A_134] : memref<160x125xi32, #tpu.memory_space<vmem>> -> memref<1x125xi32, #tpu.memory_space<vmem>>
    %dma_wait3A_136 = tpu.memref_squeeze %dma_wait3A_135 : memref<1x125xi32, #tpu.memory_space<vmem>> -> memref<125xi32, #tpu.memory_space<vmem>>
    %dma_wait3A_137 = arith.constant 0 : i32
    %dma_wait3A_138 = arith.constant 0 : i32
    %dma_wait3A_139 = tpu.memref_slice %arg14[%dma_wait3A_137, %dma_wait3A_138] : memref<10000x64xf32, #tpu.memory_space<vmem_shared>> -> memref<10000x64xf32, #tpu.memory_space<vmem_shared>>
    tpu.wait_indirect_dma semaphore(%arg21 : memref<!tpu.dma_semaphore, #tpu.memory_space<semaphore_mem>>) src(%arg8 : memref<125x64xf32, #tpu.memory_space<vmem>>) dst(%dma_wait3A_139 : memref<10000x64xf32, #tpu.memory_space<vmem_shared>>)
    %dma_wait3A_140 = arith.constant 157 : i32
    %dma_wait3A_141 = arith.constant 0 : i32
    %dma_wait3A_142 = tpu.memref_slice %arg7[%dma_wait3A_140, %dma_wait3A_141] : memref<160x125xi32, #tpu.memory_space<vmem>> -> memref<1x125xi32, #tpu.memory_space<vmem>>
    %dma_wait3A_143 = tpu.memref_squeeze %dma_wait3A_142 : memref<1x125xi32, #tpu.memory_space<vmem>> -> memref<125xi32, #tpu.memory_space<vmem>>
    %dma_wait3A_144 = arith.constant 0 : i32
    %dma_wait3A_145 = arith.constant 0 : i32
    %dma_wait3A_146 = tpu.memref_slice %arg14[%dma_wait3A_144, %dma_wait3A_145] : memref<10000x64xf32, #tpu.memory_space<vmem_shared>> -> memref<10000x64xf32, #tpu.memory_space<vmem_shared>>
    tpu.wait_indirect_dma semaphore(%arg22 : memref<!tpu.dma_semaphore, #tpu.memory_space<semaphore_mem>>) src(%arg9 : memref<125x64xf32, #tpu.memory_space<vmem>>) dst(%dma_wait3A_146 : memref<10000x64xf32, #tpu.memory_space<vmem_shared>>)
    %dma_wait3A_147 = arith.constant 158 : i32
    %dma_wait3A_148 = arith.constant 0 : i32
    %dma_wait3A_149 = tpu.memref_slice %arg7[%dma_wait3A_147, %dma_wait3A_148] : memref<160x125xi32, #tpu.memory_space<vmem>> -> memref<1x125xi32, #tpu.memory_space<vmem>>
    %dma_wait3A_150 = tpu.memref_squeeze %dma_wait3A_149 : memref<1x125xi32, #tpu.memory_space<vmem>> -> memref<125xi32, #tpu.memory_space<vmem>>
    %dma_wait3A_151 = arith.constant 0 : i32
    %dma_wait3A_152 = arith.constant 0 : i32
    %dma_wait3A_153 = tpu.memref_slice %arg14[%dma_wait3A_151, %dma_wait3A_152] : memref<10000x64xf32, #tpu.memory_space<vmem_shared>> -> memref<10000x64xf32, #tpu.memory_space<vmem_shared>>
    tpu.wait_indirect_dma semaphore(%arg23 : memref<!tpu.dma_semaphore, #tpu.memory_space<semaphore_mem>>) src(%arg10 : memref<125x64xf32, #tpu.memory_space<vmem>>) dst(%dma_wait3A_153 : memref<10000x64xf32, #tpu.memory_space<vmem_shared>>)
    %dma_wait3A_154 = arith.constant 159 : i32
    %dma_wait3A_155 = arith.constant 0 : i32
    %dma_wait3A_156 = tpu.memref_slice %arg7[%dma_wait3A_154, %dma_wait3A_155] : memref<160x125xi32, #tpu.memory_space<vmem>> -> memref<1x125xi32, #tpu.memory_space<vmem>>
    %dma_wait3A_157 = tpu.memref_squeeze %dma_wait3A_156 : memref<1x125xi32, #tpu.memory_space<vmem>> -> memref<125xi32, #tpu.memory_space<vmem>>
    %dma_wait3A_158 = arith.constant 0 : i32
    %dma_wait3A_159 = arith.constant 0 : i32
    %dma_wait3A_160 = tpu.memref_slice %arg14[%dma_wait3A_158, %dma_wait3A_159] : memref<10000x64xf32, #tpu.memory_space<vmem_shared>> -> memref<10000x64xf32, #tpu.memory_space<vmem_shared>>
    tpu.wait_indirect_dma semaphore(%arg24 : memref<!tpu.dma_semaphore, #tpu.memory_space<semaphore_mem>>) src(%arg11 : memref<125x64xf32, #tpu.memory_space<vmem>>) dst(%dma_wait3A_160 : memref<10000x64xf32, #tpu.memory_space<vmem_shared>>)
    %barrier3A_161 = arith.constant 0 : index
    tpu.barrier barrier_id(%barrier3A_161)
    %mul3A_162 = arith.constant 625 : i32
    %mul3A_163 = arith.muli %arg1, %mul3A_162 : i32
    %mul3A_164 = arith.constant 625 : i32
    %mul3A_165 = arith.muli %arg1, %mul3A_164 : i32
    %mul3A_166 = arith.constant 64 : i32
    %mul3A_167 = arith.muli %arg0, %mul3A_166 : i32
    "tpu.region"() ({
      %run_scoped3A = tpu.sem_alloc : memref<!tpu.dma_semaphore, #tpu.memory_space<semaphore_mem>>
      %dma_start3A_168 = tpu.memref_slice %arg5[%mul3A_165, %mul3A_167] : memref<10000x128xf32, #tpu.memory_space<hbm>> -> memref<625x64xf32, #tpu.memory_space<hbm>>
      %dma_start3A_169 = arith.constant 0 : i32
      %dma_start3A_170 = tpu.memref_slice %arg14[%mul3A_163, %dma_start3A_169] : memref<10000x64xf32, #tpu.memory_space<vmem_shared>> -> memref<625x64xf32, #tpu.memory_space<vmem_shared>>
      tpu.enqueue_dma source(%dma_start3A_170 : memref<625x64xf32, #tpu.memory_space<vmem_shared>>) target(%dma_start3A_168 : memref<625x64xf32, #tpu.memory_space<hbm>>) target_semaphore(%run_scoped3A : memref<!tpu.dma_semaphore, #tpu.memory_space<semaphore_mem>>)
      %dma_wait3A_171 = tpu.memref_slice %arg5[%mul3A_165, %mul3A_167] : memref<10000x128xf32, #tpu.memory_space<hbm>> -> memref<625x64xf32, #tpu.memory_space<hbm>>
      %dma_wait3A_172 = arith.constant 0 : i32
      %dma_wait3A_173 = tpu.memref_slice %arg14[%mul3A_163, %dma_wait3A_172] : memref<10000x64xf32, #tpu.memory_space<vmem_shared>> -> memref<625x64xf32, #tpu.memory_space<vmem_shared>>
      tpu.wait_dma2 semaphore(%run_scoped3A : memref<!tpu.dma_semaphore, #tpu.memory_space<semaphore_mem>>) src(%dma_wait3A_173 : memref<625x64xf32, #tpu.memory_space<vmem_shared>>) dst(%dma_wait3A_171 : memref<625x64xf32, #tpu.memory_space<hbm>>)
      tpu.yield
    }) : () -> ()
    return
  }
}

module attributes {stable_mosaic.version = 14 : i64} {
  func.func @body(%arg0: i32, %arg1: memref<2000x128xf32, #tpu.memory_space<vmem>>, %arg2: memref<128x128xf32, #tpu.memory_space<vmem>>, %arg3: memref<2000x128xf32, #tpu.memory_space<vmem>>) attributes {dimension_semantics = [#tpu.dimension_semantics<arbitrary>], iteration_bounds = array<i64: 5>, scalar_prefetch = 0 : i64, scratch_operands = 0 : i64, tpu.core_type = #tpu.core_type<tc>, window_params = [{transform_indices = @transform_0, window_bounds = array<i64: 2000, 128>}, {pipeline_mode = #tpu.pipeline_mode<synchronous>, transform_indices = @transform_1, window_bounds = array<i64: 128, 128>}, {transform_indices = @transform_2, window_bounds = array<i64: 2000, 128>}]} {
    %get3A = arith.constant 0 : index
    %get3A_0 = arith.constant 0 : index
    %get3A_1 = vector.load %arg1[%get3A, %get3A_0] : memref<2000x128xf32, #tpu.memory_space<vmem>>, vector<2000x128xf32>
    %get3A_2 = arith.constant 0 : index
    %get3A_3 = arith.constant 0 : index
    %get3A_4 = vector.load %arg2[%get3A_2, %get3A_3] : memref<128x128xf32, #tpu.memory_space<vmem>>, vector<128x128xf32>
    %dot_general3A = arith.constant dense<0.000000e+00> : vector<2000x128xf32>
    %dot_general3A_5 = tpu.matmul %get3A_1, %get3A_4, %dot_general3A {dimension_numbers = #tpu.dot_dimension_numbers<[1], [1], [0], [0], [0, 0, 1, 0], [], []>, transpose_lhs_hint = false} : vector<2000x128xf32>, vector<128x128xf32>, vector<2000x128xf32> -> vector<2000x128xf32>
    %swap3A = arith.constant 0 : index
    %swap3A_6 = arith.constant 0 : index
    %swap3A_7 = vector.load %arg3[%swap3A, %swap3A_6] : memref<2000x128xf32, #tpu.memory_space<vmem>>, vector<2000x128xf32>
    tpu.vector_store %arg3[%swap3A, %swap3A_6], %dot_general3A_5 {strides = array<i32>} : memref<2000x128xf32, #tpu.memory_space<vmem>>, vector<2000x128xf32>,
    return
  }
  func.func @transform_0(%arg0: i32) -> (i32, i32) {
    %c0_i32 = arith.constant 0 : i32
    %c0_i32_0 = arith.constant 0 : i32
    return %arg0, %c0_i32 : i32, i32
  }
  func.func @transform_1(%arg0: i32) -> (i32, i32) {
    %c0_i32 = arith.constant 0 : i32
    %c0_i32_0 = arith.constant 0 : i32
    %c0_i32_1 = arith.constant 0 : i32
    return %c0_i32, %c0_i32_0 : i32, i32
  }
  func.func @transform_2(%arg0: i32) -> (i32, i32) {
    %c0_i32 = arith.constant 0 : i32
    %c0_i32_0 = arith.constant 0 : i32
    return %arg0, %c0_i32 : i32, i32
  }
}

</mosaic_0001>

<sc_bundles>
// kernel: kernel.4.cloned.1.call-start
scs
__scs_entry_jumppad:
0x0: {  	(pc) =	sbr.rel $0x88, $3  }
0x1: {  	(tag) =	ssettag $0x0;
	lr =	simm.s32 $0x1  }
0x2: {  	[smem:$0x3F9D] =	sst lr;
	_ =	strace $0xD0000000  }
0x3: {  	_ = 	snop  }
0x4: {  	_ = 	snop  }
0x5: {  	_ = 	snop  }
0x6: {  	_ = 	snop  }
0x7: {  	_ = 	snop  }
__scs_overlays_trampoline_lowered:
0x8: {  	[smem:$0x3FAC] =	sst s0  }
0x9: {  	[smem:$0x3FAD] =	sst s1  }
0xa: {  	[smem:$0x3FAE] =	sst s2  }
0xb: {  	[smem:$0x3FAF] =	sst s3  }
0xc: {  	[smem:$0x3FB0] =	sst s4  }
0xd: {  	[smem:$0x3FB1] =	sst s5  }
0xe: {  	[smem:$0x3FB2] =	sst s6  }
0xf: {  	[smem:$0x3FB3] =	sst s7  }
0x10: {  	[smem:$0x3FB4] =	sst s8  }
0x11: {  	[smem:$0x3FB5] =	sst s9;
	s0 =	simm.s32 @!p0 $0x0  }
0x12: {  	s1 =	sld [smem:$0x3F9B];
	s0 =	simm.s32 @p0 $0x1  }
0x13: {  	[smem:$0x3FB6] =	sst s0;
	s0 =	simm.s32 @!p1 $0x0  }
0x14: {  	s2 =	sld [smem:$0x3F9A];
	s0 =	simm.s32 @p1 $0x1  }
0x15: {  	[smem:$0x3FB7] =	sst s0;
	s0 =	simm.s32 @!p2 $0x0  }
0x16: {  	s3 =	sld [smem:$0x3FDB];
	s0 =	simm.s32 @p2 $0x1  }
0x17: {  	s4 =	simm.s32 $0x1BF5;
	[smem:$0x3FB9] =	sst s0  }
0x18: {  	s0 =	sld [smem:$0x3F9C];
	_ =	swait.ge [sflag:s4], $0x0  }
0x19: {  	s7 =	sld [smem:$0x3F9D]  }
0x1a: {  	s8 =	sadd.s32 $0xFFFFE003, lr  }
0x1b: {  	s9 =	sadd.s32 $0xFFFFFEF7, lr;
	s5 =	simm.s32 $0xFFFFFFFF;
	p2 =	slt.u32 s8, $0xFFFFF086  }
0x1c: {  	p1 =	slt.u32 s9, $0xF7A;
	s5 =	simm.s32 @!p2 $0x0  }
0x1d: {  	s5 =	simm.s32 @p1 $0x1;
	p0 =	seq.s32 s7, s2  }
0x1e: {  	s7 =	smul.u32 @!p0 $0xF7A, s2;
	p2 =	seq.s32 @!p0 s5, $0x0  }
0x1f: {  	s9 =	smul.u32 $0xF7A, s1;
	s8 =	simm.s32 @!p0 $0x1BF5;
	p2 =	por !p2, p0  }
0x20: {  	[sflag:s8] =	ssyncset.s32 @!p0 $0xFFFFF086;
	s6 =	sadd.s32 @!p0 s3, s7;
	s7 =	simm.s32 @!p0 $0x108  }
0x21: {  	s3 =	sadd.s32 s3, s9;
	s6 =	sadd.s32 @!p0 $0x88, s6;
	s7 =	simm.s32 @p2 $0x1082  }
0x22: {  	[simem:s7], [sflag:s8] =	dma.local @!p0 [hbm:s6], $0xF7A  }
0x23: {  	s9 =	sor.u32 $0xD0000000, s2;
	s6 =	simm.s32 $0x108;
	_ =	swait.ge @!p0 [sflag:s8], $0x0  }
0x24: {  	s3 =	sadd.s32 $0x88, s3;
	s6 =	simm.s32 @!p1 $0x1082;
	[sflag:s4] =	ssyncset.s32 $0xFFFFF086  }
0x25: {  	[simem:s6], [sflag:s4] =	dma.local [hbm:s3], $0xF7A  }
0x26: {  	[smem:$0x3F9D] =	sst s1;
	(tag) =	ssettag s2;
	_ =	strace s9  }
0x27: {  	s1 =	sld [smem:$0x3FAD]  }
0x28: {  	s2 =	sld [smem:$0x3FAE]  }
0x29: {  	s4 =	sld [smem:$0x3FB0]  }
0x2a: {  	p0 =	seq.s32 s5, $0x0;
	s5 =	sld [smem:$0x3FB1]  }
0x2b: {  	s6 =	sld [smem:$0x3FB2]  }
0x2c: {  	s7 =	sld [smem:$0x3FB3]  }
0x2d: {  	s3 =	simm.s32 $0x108;
	s8 =	sld [smem:$0x3FB4]  }
0x2e: {  	s3 =	simm.s32 @!p0 $0x1082;
	s9 =	sld [smem:$0x3FB5]  }
0x2f: {  	lr =	sadd.s32 s0, s3;
	s0 =	sld [smem:$0x3FAC]  }
0x30: {  	s3 =	sld [smem:$0x3FAF]  }
0x31: {  	[smem:$0x3FB8] =	sst s10  }
0x32: {  	s10 =	sld [smem:$0x3FB6];
	_ =	sdelay $0x3  }
0x33: {  	p0 =	seq.s32 s10, $0x1;
	s10 =	sld [smem:$0x3FB8];
	_ =	sdelay $0x3  }
0x34: {  	[smem:$0x3FB8] =	sst s10  }
0x35: {  	s10 =	sld [smem:$0x3FB7];
	_ =	sdelay $0x3  }
0x36: {  	p1 =	seq.s32 s10, $0x1;
	s10 =	sld [smem:$0x3FB8];
	_ =	sdelay $0x3  }
0x37: {  	[smem:$0x3FB8] =	sst s10  }
0x38: {  	s10 =	sld [smem:$0x3FB9]  }
0x39: {  	_ = 	snop;
	(pc) =	sbr.ind lr, $3  }
0x3a: {  	_ = 	snop  }
0x3b: {  	_ = 	snop  }
0x3c: {  	p2 =	seq.s32 s10, $0x1;
	s10 =	sld [smem:$0x3FB8]  }
0x3d: {  	_ =	shalt  }
0x3e: {  	_ =	shalt  }
0x3f: {  	_ =	shalt  }
0x40: {  	_ =	shalt  }
0x41: {  	_ =	shalt  }
0x42: {  	_ =	shalt  }
0x43: {  	_ =	shalt  }
0x44: {  	_ =	shalt  }
0x45: {  	_ =	shalt  }
0x46: {  	_ =	shalt  }
0x47: {  	_ =	shalt  }
0x48: {  	_ =	shalt  }
0x49: {  	_ =	shalt  }
0x4a: {  	_ =	shalt  }
0x4b: {  	_ =	shalt  }
0x4c: {  	_ =	shalt  }
0x4d: {  	_ =	shalt  }
0x4e: {  	_ =	shalt  }
0x4f: {  	_ =	shalt  }
0x50: {  	_ =	shalt  }
0x51: {  	_ =	shalt  }
0x52: {  	_ =	shalt  }
0x53: {  	_ =	shalt  }
0x54: {  	_ =	shalt  }
0x55: {  	_ =	shalt  }
0x56: {  	_ =	shalt  }
0x57: {  	_ =	shalt  }
0x58: {  	_ =	shalt  }
0x59: {  	_ =	shalt  }
0x5a: {  	_ =	shalt  }
0x5b: {  	_ =	shalt  }
0x5c: {  	_ =	shalt  }
0x5d: {  	_ =	shalt  }
0x5e: {  	_ =	shalt  }
0x5f: {  	_ =	shalt  }
0x60: {  	_ =	shalt  }
0x61: {  	_ =	shalt  }
0x62: {  	_ =	shalt  }
0x63: {  	_ =	shalt  }
0x64: {  	_ =	shalt  }
0x65: {  	_ =	shalt  }
0x66: {  	_ =	shalt  }
0x67: {  	_ =	shalt  }
0x68: {  	_ =	shalt  }
0x69: {  	_ =	shalt  }
0x6a: {  	_ =	shalt  }
0x6b: {  	_ =	shalt  }
0x6c: {  	_ =	shalt  }
0x6d: {  	_ =	shalt  }
0x6e: {  	_ =	shalt  }
0x6f: {  	_ =	shalt  }
0x70: {  	_ =	shalt  }
0x71: {  	_ =	shalt  }
0x72: {  	_ =	shalt  }
0x73: {  	_ =	shalt  }
0x74: {  	_ =	shalt  }
0x75: {  	_ =	shalt  }
0x76: {  	_ =	shalt  }
0x77: {  	_ =	shalt  }
0x78: {  	_ =	shalt  }
0x79: {  	_ =	shalt  }
0x7a: {  	_ =	shalt  }
0x7b: {  	_ =	shalt  }
0x7c: {  	_ =	shalt  }
0x7d: {  	_ =	shalt  }
0x7e: {  	_ =	shalt  }
0x7f: {  	_ =	shalt  }
0x80: {  	_ =	shalt  }
0x81: {  	_ =	shalt  }
0x82: {  	_ =	shalt  }
0x83: {  	_ =	shalt  }
0x84: {  	_ =	shalt  }
0x85: {  	_ =	shalt  }
0x86: {  	_ =	shalt  }
0x87: {  	_ =	shalt  }
.Lfunc_end0:
.L_simem_size_0:
called_computation_lowered:
.L_overlay_start_0:
0x88: {  	s2 =	sld [smem:$0x3FD9]  }
0x89: {  	s3 =	sld [smem:$0x3FFE];
	_ =	sdelay $0x1  }
0x8a: {  	s1 =	srdreg.scid  }
0x8b: {  	s0 =	sand.u32 $0x1, s1  }
0x8c: {  	s17 =	sshll.u32 s0, $0xA;
	s2 =	sadd.s32 s3, s2  }
0x8d: {  	s2 =	sadd.s32 s2, s17  }
0x8e: {  	[smem:$0x3FC4] =	sst s2  }
0x8f: {  	_ = 	snop  }
0x90: {  	s2 =	sld [smem:$0x3FC9]  }
0x91: {  	s18 =	sld [smem:$0x3FD0];
	(tm) =	ssettm $0x1  }
0x92: {  	s4 =	sld [smem:$0x3FFB];
	_ =	sdelay $0x3  }
0x93: {  	_ =	strace s4  }
0x94: {  	s4 =	sld [smem:$0x3FFC];
	_ =	sdelay $0x3  }
0x95: {  	_ =	strace s4  }
0x96: {  	s4 =	sld [smem:$0x3FFD];
	_ =	sdelay $0x3  }
0x97: {  	_ =	strace s4  }
0x98: {  	_ =	strace $0x8FFFFFFF  }
0x99: {  	s19 =	sld [smem:$0x3FDB];
	_ =	sdelay $0x1  }
0x9a: {  	s5 =	simm.s32 $_scs_section_size  }
0x9b: {  	s6 =	simm.s32 $_size__tile_overlayer_lowered;
	s7 =	simm.s32 $_tile_overlayer_lowered  }
0x9c: {  	s22 =	simm.s32 $0x1BFF;
	s21 =	sshll.u32 s7, $0x1;
	s4 =	sadd.s32 s5, s19  }
0x9d: {  	s8 =	simm.s32 $0x0;
	s20 =	sshll.u32 s6, $0x1;
	s6 =	sadd.s32 s21, s4  }
0x9e: {  	[timem:s8], [sflag:s22] =	dma.local [hbm:s6], s20  }
0x9f: {  	_ =	swait.ge [sflag:s22], s20  }
0xa0: {  	s5 =	ssub.s32 $0x0, s20;
	[sflag:s22] =	ssyncset.done $0x0  }
0xa1: {  	[sflag:s22] =	ssyncadd.s32 s5;
	_ =	sdelay $0x1  }
0xa2: {  	s23 =	simm.s32 $0x1B8B  }
0xa3: {  	_ =	swait.ge [sflag:s23], $0x1  }
0xa4: {  	[sflag:s23] =	ssyncset.done $0x0  }
0xa5: {  	s25 =	simm.s32 $0x1B8E;
	s24 =	sld [smem:$0x3FFE];
	[sflag:s23] =	ssyncadd.s32 $0xFFFFFFFF  }
0xa6: {  	s26 =	simm.s32 $execute0_lowered;
	[smem:$0x3FD2] =	sst s25  }
0xa7: {  	s6 =	sshll.u32 s26, $0x1;
	_ =	strace $0x80000046;
	[dreg:$0x1] =	wrdreg $0xFFFFFFFF  }
0xa8: {  	s28 =	simm.s32 $_size_execute0_lowered;
	s4 =	sadd.s32 s4, s6;
	[dreg:$0x0] =	wrdreg $0x0  }
0xa9: {  	s6 =	sshll.u32 s28, $0x1;
	[dreg:$0x2] =	wrdreg s4  }
0xaa: {  	[dreg:$0x3] =	wrdreg s6  }
0xab: {  	[dreg:$0x4] =	wrdreg $0xC0  }
0xac: {  	_ =	task [dreg:s8], $0x5FFFF  }
0xad: {  	[dreg:$0x1] =	wrdreg $0xFFFFFFFF  }
0xae: {  	[dreg:$0x0] =	wrdreg $0x60  }
0xaf: {  	[dreg:$0x2] =	wrdreg s2  }
0xb0: {  	[dreg:$0x3] =	wrdreg s24  }
0xb1: {  	[dreg:$0x4] =	wrdreg s18  }
0xb2: {  	[dreg:$0x5] =	wrdreg $0x15B800  }
0xb3: {  	[dreg:$0x6] =	wrdreg $0x9  }
0xb4: {  	_ =	task.clear_ibuf [dreg:s8], $0x7FFFF;
	_ =	strace $0x90000046  }
0xb5: {  	s29 =	simm.s32 $0x9;
	_ =	strace $0x80000048  }
0xb6: {  	_ =	swait.ge [sflag:s29], $0x1  }
0xb7: {  	[sflag:s29] =	ssyncadd.s32 $0xFFFFFFFF  }
0xb8: {  	_ =	strace $0x90000048  }
0xb9: {  	_ =	sfence  }
0xba: {  	s30 =	sld [smem:$0x0];
	_ =	sdelay $0x2  }
0xbb: {  	s31 =	sshll.u32 s1, $0xD;
	s1 =	sshrl.u32 s1, $0x2  }
0xbc: {  	s3 =	sand.u32 $0x4000, s31;
	s1 =	sadd.s32 s1, s30  }
0xbd: {  	s0 =	sor.u32 s3, s0;
	s1 =	sshll.u32 s1, $0x11  }
0xbe: {  	s0 =	sor.u32 s1, s0  }
0xbf: {  	s0 =	sadd.s32 $0x8F2B, s0  }
0xc0: {  	[sflag:s0] =	ssyncadd.remote.s32 $0x1  }
0xc1: {  	_ =	sfence.sel $0xFFFF  }
0xc2: {  	[dreg:$0x0] =	wrdreg $0xFFFFFFFF;
	(pc) =	sbr.abs _section_cstart, $3  }
0xc3: {  	[dreg:$0x1] =	wrdreg $0xFFFFFFFF  }
0xc4: {  	_ =	task.clear_ibuf [dreg:s8], $0x2FFFF;
	_ =	strace $0x9FFFFFFF  }
0xc5: {  	(tm) =	ssettm $0x7FFFFFFF  }
tec
execute0_lowered:
.L_overlay_start_1:
0x0: {  	(tag) =	ssettag $0x1  }
0x1: {  	s1 =	rddreg [dreg:$0x0]  }
0x2: {  	s2 =	rddreg [dreg:$0x1]  }
0x3: {  	s0 =	srdreg.scid;
	s6 =	rddreg [dreg:$0x2]  }
0x4: {  	s11 =	stileid.u32;
	s3 =	rddreg [dreg:$0x3];
	s4 =	simm.s32 $0x0  }
0x5: {  	s14 =	simm.s32 $0xD;
	s16 =	simm.s32 $0x7D;
	s17 =	simm.s32 $0xA000  }
0x6: {  	s19 =	simm.s32 $0xBF40;
	s30 =	simm.s32 $0x11D00;
	s31 =	simm.s32 $0x3  }
0x7: {  	s20 =	simm.s32 $0x4;
	s29 =	simm.s32 $0x5;
	s5 =	smul.u32 $0x5000, s11  }
0x8: {  	s18 =	simm.s32 $0x8;
	s28 =	simm.s32 $0x6;
	s10 =	smul.u32 $0x27100, s11  }
0x9: {  	s0 =	sand.u32 $0x1, s0;
	[smem:$0x7FF] =	sst s4;
	s22 =	smul.u32 $0x13880, s11  }
0xa: {  	s7 =	smul.u32 $0x50000, s0;
	_ =	strace $0x80000047;
	s8 =	ssub.s32 $0x2, s0  }
0xb: {  	s0 =	sshll.u32 s0, $0x6;
	s9 =	sshrl.u32 s8, $0x1;
	s23 =	sshrl.u32 s10, $0x2  }
0xc: {  	s0 =	sor.u32 s0, s22;
	s22 =	simm.s32 $0x13C40;
	s7 =	sadd.s32 s5, s7  }
0xd: {  	s5 =	sshrl.u32 s5, $0x3;
	s21 =	ssub.s32 s8, s9;
	s0 =	sshrl.u32 s0, $0x3  }
0xe: {  	s8 =	simm.s32 $0x0;
	s7 =	sshrl.u32 s7, $0x3;
	s12 =	sadd.s32 s6, s0  }
0xf: {  	s13 =	smax.u32 s21, $0x1;
	s21 =	simm.s32 $0xDE80;
	s7 =	sadd.s32 s7, s2  }
0x10: {  	s0 =	simm.s32 $0x9;
	s2 =	sadd.s32 s5, s2;
	s7 =	sadd.s32 $0xA00, s7  }
0x11: {  	s2 =	sadd.s32 $0x14A00, s2;
	[dreg:$0x5] =	wrdreg s7;
	s7 =	sadd.s32 s23, s3  }
0x12: {  	s6 =	simm.s32 $0xC;
	[dreg:$0x6] =	wrdreg s2;
	s24 =	sadd.s32 $0x1F40, s7  }
0x13: {  	s5 =	simm.s32 $0xB;
	s25 =	sadd.s32 $0x3E80, s7;
	[dreg:$0x7] =	wrdreg s24  }
0x14: {  	s23 =	simm.s32 $0x1;
	s26 =	sadd.s32 $0x5DC0, s7;
	[dreg:$0x8] =	wrdreg s25  }
0x15: {  	s2 =	simm.s32 $0xA;
	s11 =	sadd.s32 $0x7D00, s7;
	[dreg:$0x9] =	wrdreg s26  }
0x16: {  	v0 =	vimm.f32 $0.0e+00;
	s25 =	simm.s32 $0xFDC0;
	s26 =	simm.s32 $0x2;
	s24 =	simm.s32 $0x7  }
.LBB2_1:
0x17: {  	s9 =	rddreg [dreg:$0x5]  }
0x18: {  	[tilespmem:s4], [sflag:$0xD] =	stream.linear.gather [hbm4b:s9+s4], $0x5000, $0x38;
	[tilespmem:$0x1F7C0] =	vst v63  }
0x19: {  	_ =	swait.ge [sflag:s14], $0x5000  }
0x1a: {  	[sflag:s14] =	ssyncset.done $0x0  }
0x1b: {  	s10 =	simm.s32 $0x5000;
	s15 =	rddreg [dreg:$0x6];
	[sflag:s14] =	ssyncadd.s32 $0xFFFFB000  }
0x1c: {  	[tilespmem:s10], [sflag:$0xD] =	stream.linear.gather [hbm4b:s15+s4], $0x5000, $0x38;
	[tilespmem:$0x1F7C0] =	vst v63  }
0x1d: {  	_ =	swait.ge [sflag:s14], $0x5000  }
0x1e: {  	[sflag:s14] =	ssyncset.done $0x0  }
0x1f: {  	[sflag:s14] =	ssyncadd.s32 $0xFFFFB000  }
0x20: {  	[tilespmem:s17], [sflag:$0x1] =	stream.indirect.gather [hbm4b:s1+s16], $0x40, s4, s16, $0xb8;
	[tilespmem:$0x1F7C0] =	vst v63  }
0x21: {  	s10 =	simm.s32 $0x80  }
0x22: {  	[tilespmem:s19], [sflag:$0x2] =	stream.indirect.gather [hbm4b:s1+s16], $0x40, s10, s16, $0xb8;
	[tilespmem:$0x1F7C0] =	vst v63  }
0x23: {  	s15 =	simm.s32 $0x100  }
0x24: {  	[tilespmem:s21], [sflag:$0x3] =	stream.indirect.gather [hbm4b:s1+s16], $0x40, s15, s16, $0xb8;
	[tilespmem:$0x1F7C0] =	vst v63  }
0x25: {  	s9 =	simm.s32 $0x0;
	s15 =	simm.s32 $0x100  }
.LBB2_2:
0x26: {  	p0 =	sne.s32 s15, $0x7C00;
	[tilespmem:s9+$0x13C70] =	vst v0;
	s10 =	smov.u32 s15;
	s15 =	sadd.s32 $0x100, s15  }
.Ltmp0:
0x27: {  	[tilespmem:s9+$0x13C60] =	vst v0;
	(pc) =	sbr.rel @p0 .LBB2_2-.Ltmp0, $3  }
0x28: {  	[tilespmem:s9+$0x13C40] =	vst v0  }
0x29: {  	[tilespmem:s9+$0x13C50] =	vst v0;
	_ =	sdelay $0x1  }
0x2a: {  	s9 =	sshra.s32 s10, $0x2  }
0x2b: {  	[tilespmem:s9+$0x13C70] =	vst v0  }
0x2c: {  	[tilespmem:s9+$0x13C60] =	vst v0  }
0x2d: {  	[tilespmem:s9+$0x13C40] =	vst v0  }
0x2e: {  	[tilespmem:s9+$0x13C50] =	vst v0  }
0x2f: {  	[spmem:s7] =	stream.linear.scatter [tilespmem:s22], [sflag:$0xD], $0x1F40, $0x38;
	[tilespmem:$0x1F7C0] =	vst v63  }
0x30: {  	_ =	swait.ge [sflag:s14], $0x1F40  }
0x31: {  	[sflag:s14] =	ssyncset.done $0x0  }
0x32: {  	s10 =	rddreg [dreg:$0x7];
	[sflag:s14] =	ssyncadd.s32 $0xFFFFE0C0  }
0x33: {  	[spmem:s10] =	stream.linear.scatter [tilespmem:s22], [sflag:$0xD], $0x1F40, $0x38;
	[tilespmem:$0x1F7C0] =	vst v63  }
0x34: {  	_ =	swait.ge [sflag:s14], $0x1F40  }
0x35: {  	[sflag:s14] =	ssyncset.done $0x0  }
0x36: {  	s15 =	rddreg [dreg:$0x8];
	[sflag:s14] =	ssyncadd.s32 $0xFFFFE0C0  }
0x37: {  	[spmem:s15] =	stream.linear.scatter [tilespmem:s22], [sflag:$0xD], $0x1F40, $0x38;
	[tilespmem:$0x1F7C0] =	vst v63  }
0x38: {  	_ =	swait.ge [sflag:s14], $0x1F40  }
0x39: {  	[sflag:s14] =	ssyncset.done $0x0  }
0x3a: {  	s10 =	rddreg [dreg:$0x9];
	[sflag:s14] =	ssyncadd.s32 $0xFFFFE0C0  }
0x3b: {  	[spmem:s10] =	stream.linear.scatter [tilespmem:s22], [sflag:$0xD], $0x1F40, $0x38;
	[tilespmem:$0x1F7C0] =	vst v63  }
0x3c: {  	_ =	swait.ge [sflag:s14], $0x1F40  }
0x3d: {  	[sflag:s14] =	ssyncset.done $0x0  }
0x3e: {  	[sflag:s14] =	ssyncadd.s32 $0xFFFFE0C0  }
0x3f: {  	[spmem:s11] =	stream.linear.scatter [tilespmem:s22], [sflag:$0xD], $0x1F40, $0x38;
	[tilespmem:$0x1F7C0] =	vst v63  }
0x40: {  	_ =	swait.ge [sflag:s14], $0x1F40  }
0x41: {  	[sflag:s14] =	ssyncset.done $0x0  }
0x42: {  	[sflag:s14] =	ssyncadd.s32 $0xFFFFE0C0  }
0x43: {  	[bflag:$0x0] =	sbarrier.arrive $0xFFFF  }
0x44: {  	_ =	swait.ge [sflag:s23], $0x1F40  }
0x45: {  	[sflag:s23] =	ssyncset.done $0x0  }
0x46: {  	s15 =	simm.s32 $0x5000;
	[sflag:s23] =	ssyncadd.s32 $0xFFFFE0C0  }
0x47: {  	[spmem:s3] =	stream.indirect.scatter.add.f32 [tilespmem:s17], [sflag:$0x7], $0x40, s15, s16, $0xb8;
	[tilespmem:$0x1F7C0] =	vst v63  }
0x48: {  	s10 =	simm.s32 $0x180  }
0x49: {  	[tilespmem:s25], [sflag:$0x4] =	stream.indirect.gather [hbm4b:s1+s16], $0x40, s10, s16, $0xb8;
	[tilespmem:$0x1F7C0] =	vst v63  }
0x4a: {  	_ =	swait.ge [sflag:s26], $0x1F40  }
0x4b: {  	[sflag:s26] =	ssyncset.done $0x0  }
0x4c: {  	s15 =	simm.s32 $0x5080;
	[sflag:s26] =	ssyncadd.s32 $0xFFFFE0C0  }
0x4d: {  	[spmem:s3] =	stream.indirect.scatter.add.f32 [tilespmem:s19], [sflag:$0x8], $0x40, s15, s16, $0xb8;
	[tilespmem:$0x1F7C0] =	vst v63  }
0x4e: {  	s10 =	simm.s32 $0x200  }
0x4f: {  	[tilespmem:s30], [sflag:$0x5] =	stream.indirect.gather [hbm4b:s1+s16], $0x40, s10, s16, $0xb8;
	[tilespmem:$0x1F7C0] =	vst v63  }
0x50: {  	_ =	swait.ge [sflag:s31], $0x1F40  }
0x51: {  	[sflag:s31] =	ssyncset.done $0x0  }
0x52: {  	s15 =	simm.s32 $0x5100;
	[sflag:s31] =	ssyncadd.s32 $0xFFFFE0C0  }
0x53: {  	[spmem:s3] =	stream.indirect.scatter.add.f32 [tilespmem:s21], [sflag:$0x9], $0x40, s15, s16, $0xb8;
	[tilespmem:$0x1F7C0] =	vst v63  }
0x54: {  	s10 =	simm.s32 $0x280  }
0x55: {  	[tilespmem:s22], [sflag:$0x6] =	stream.indirect.gather [hbm4b:s1+s16], $0x40, s10, s16, $0xb8;
	[tilespmem:$0x1F7C0] =	vst v63  }
0x56: {  	_ =	swait.ge [sflag:s20], $0x1F40  }
0x57: {  	[sflag:s20] =	ssyncset.done $0x0  }
0x58: {  	s15 =	simm.s32 $0x5180;
	[sflag:s20] =	ssyncadd.s32 $0xFFFFE0C0  }
0x59: {  	[spmem:s3] =	stream.indirect.scatter.add.f32 [tilespmem:s25], [sflag:$0xA], $0x40, s15, s16, $0xb8;
	[tilespmem:$0x1F7C0] =	vst v63  }
0x5a: {  	_ =	swait.ge [sflag:s24], $0x1F40  }
0x5b: {  	[sflag:s24] =	ssyncset.done $0x0  }
0x5c: {  	s10 =	simm.s32 $0x300;
	[sflag:s24] =	ssyncadd.s32 $0xFFFFE0C0  }
0x5d: {  	[tilespmem:s17], [sflag:$0x1] =	stream.indirect.gather [hbm4b:s1+s16], $0x40, s10, s16, $0xb8;
	[tilespmem:$0x1F7C0] =	vst v63  }
0x5e: {  	_ =	swait.ge [sflag:s29], $0x1F40  }
0x5f: {  	[sflag:s29] =	ssyncset.done $0x0  }
0x60: {  	s15 =	simm.s32 $0x5200;
	[sflag:s29] =	ssyncadd.s32 $0xFFFFE0C0  }
0x61: {  	[spmem:s3] =	stream.indirect.scatter.add.f32 [tilespmem:s30], [sflag:$0xB], $0x40, s15, s16, $0xb8;
	[tilespmem:$0x1F7C0] =	vst v63  }
0x62: {  	_ =	swait.ge [sflag:s18], $0x1F40  }
0x63: {  	[sflag:s18] =	ssyncset.done $0x0  }
0x64: {  	s10 =	simm.s32 $0x380;
	[sflag:s18] =	ssyncadd.s32 $0xFFFFE0C0  }
0x65: {  	[tilespmem:s19], [sflag:$0x2] =	stream.indirect.gather [hbm4b:s1+s16], $0x40, s10, s16, $0xb8;
	[tilespmem:$0x1F7C0] =	vst v63  }
0x66: {  	_ =	swait.ge [sflag:s28], $0x1F40  }
0x67: {  	[sflag:s28] =	ssyncset.done $0x0  }
0x68: {  	s15 =	simm.s32 $0x5280;
	[sflag:s28] =	ssyncadd.s32 $0xFFFFE0C0  }
0x69: {  	[spmem:s3] =	stream.indirect.scatter.add.f32 [tilespmem:s22], [sflag:$0xC], $0x40, s15, s16, $0xb8;
	[tilespmem:$0x1F7C0] =	vst v63  }
0x6a: {  	_ =	swait.ge [sflag:s0], $0x1F40  }
0x6b: {  	[sflag:s0] =	ssyncset.done $0x0  }
0x6c: {  	s10 =	simm.s32 $0x400;
	[sflag:s0] =	ssyncadd.s32 $0xFFFFE0C0  }
0x6d: {  	[tilespmem:s21], [sflag:$0x3] =	stream.indirect.gather [hbm4b:s1+s16], $0x40, s10, s16, $0xb8;
	[tilespmem:$0x1F7C0] =	vst v63  }
0x6e: {  	_ =	swait.ge [sflag:s23], $0x1F40  }
0x6f: {  	[sflag:s23] =	ssyncset.done $0x0  }
0x70: {  	s15 =	simm.s32 $0x5300;
	[sflag:s23] =	ssyncadd.s32 $0xFFFFE0C0  }
0x71: {  	[spmem:s3] =	stream.indirect.scatter.add.f32 [tilespmem:s17], [sflag:$0x7], $0x40, s15, s16, $0xb8;
	[tilespmem:$0x1F7C0] =	vst v63  }
0x72: {  	_ =	swait.ge [sflag:s2], $0x1F40  }
0x73: {  	[sflag:s2] =	ssyncset.done $0x0  }
0x74: {  	s10 =	simm.s32 $0x480;
	[sflag:s2] =	ssyncadd.s32 $0xFFFFE0C0  }
0x75: {  	[tilespmem:s25], [sflag:$0x4] =	stream.indirect.gather [hbm4b:s1+s16], $0x40, s10, s16, $0xb8;
	[tilespmem:$0x1F7C0] =	vst v63  }
0x76: {  	_ =	swait.ge [sflag:s26], $0x1F40  }
0x77: {  	[sflag:s26] =	ssyncset.done $0x0  }
0x78: {  	s15 =	simm.s32 $0x5380;
	[sflag:s26] =	ssyncadd.s32 $0xFFFFE0C0  }
0x79: {  	[spmem:s3] =	stream.indirect.scatter.add.f32 [tilespmem:s19], [sflag:$0x8], $0x40, s15, s16, $0xb8;
	[tilespmem:$0x1F7C0] =	vst v63  }
0x7a: {  	_ =	swait.ge [sflag:s5], $0x1F40  }
0x7b: {  	[sflag:s5] =	ssyncset.done $0x0  }
0x7c: {  	s10 =	simm.s32 $0x500;
	[sflag:s5] =	ssyncadd.s32 $0xFFFFE0C0  }
0x7d: {  	[tilespmem:s30], [sflag:$0x5] =	stream.indirect.gather [hbm4b:s1+s16], $0x40, s10, s16, $0xb8;
	[tilespmem:$0x1F7C0] =	vst v63  }
0x7e: {  	_ =	swait.ge [sflag:s31], $0x1F40  }
0x7f: {  	[sflag:s31] =	ssyncset.done $0x0  }
0x80: {  	s15 =	simm.s32 $0x5400;
	[sflag:s31] =	ssyncadd.s32 $0xFFFFE0C0  }
0x81: {  	[spmem:s3] =	stream.indirect.scatter.add.f32 [tilespmem:s21], [sflag:$0x9], $0x40, s15, s16, $0xb8;
	[tilespmem:$0x1F7C0] =	vst v63  }
0x82: {  	_ =	swait.ge [sflag:s6], $0x1F40  }
0x83: {  	[sflag:s6] =	ssyncset.done $0x0  }
0x84: {  	s10 =	simm.s32 $0x580;
	[sflag:s6] =	ssyncadd.s32 $0xFFFFE0C0  }
0x85: {  	[tilespmem:s22], [sflag:$0x6] =	stream.indirect.gather [hbm4b:s1+s16], $0x40, s10, s16, $0xb8;
	[tilespmem:$0x1F7C0] =	vst v63  }
0x86: {  	_ =	swait.ge [sflag:s20], $0x1F40  }
0x87: {  	[sflag:s20] =	ssyncset.done $0x0  }
0x88: {  	s15 =	simm.s32 $0x5480;
	[sflag:s20] =	ssyncadd.s32 $0xFFFFE0C0  }
0x89: {  	[spmem:s3] =	stream.indirect.scatter.add.f32 [tilespmem:s25], [sflag:$0xA], $0x40, s15, s16, $0xb8;
	[tilespmem:$0x1F7C0] =	vst v63  }
0x8a: {  	_ =	swait.ge [sflag:s24], $0x1F40  }
0x8b: {  	[sflag:s24] =	ssyncset.done $0x0  }
0x8c: {  	s10 =	simm.s32 $0x600;
	[sflag:s24] =	ssyncadd.s32 $0xFFFFE0C0  }
0x8d: {  	[tilespmem:s17], [sflag:$0x1] =	stream.indirect.gather [hbm4b:s1+s16], $0x40, s10, s16, $0xb8;
	[tilespmem:$0x1F7C0] =	vst v63  }
0x8e: {  	_ =	swait.ge [sflag:s29], $0x1F40  }
0x8f: {  	[sflag:s29] =	ssyncset.done $0x0  }
0x90: {  	s15 =	simm.s32 $0x5500;
	[sflag:s29] =	ssyncadd.s32 $0xFFFFE0C0  }
0x91: {  	[spmem:s3] =	stream.indirect.scatter.add.f32 [tilespmem:s30], [sflag:$0xB], $0x40, s15, s16, $0xb8;
	[tilespmem:$0x1F7C0] =	vst v63  }
0x92: {  	_ =	swait.ge [sflag:s18], $0x1F40  }
0x93: {  	[sflag:s18] =	ssyncset.done $0x0  }
0x94: {  	s10 =	simm.s32 $0x680;
	[sflag:s18] =	ssyncadd.s32 $0xFFFFE0C0  }
0x95: {  	[tilespmem:s19], [sflag:$0x2] =	stream.indirect.gather [hbm4b:s1+s16], $0x40, s10, s16, $0xb8;
	[tilespmem:$0x1F7C0] =	vst v63  }
0x96: {  	_ =	swait.ge [sflag:s28], $0x1F40  }
0x97: {  	[sflag:s28] =	ssyncset.done $0x0  }
0x98: {  	s15 =	simm.s32 $0x5580;
	[sflag:s28] =	ssyncadd.s32 $0xFFFFE0C0  }
0x99: {  	[spmem:s3] =	stream.indirect.scatter.add.f32 [tilespmem:s22], [sflag:$0xC], $0x40, s15, s16, $0xb8;
	[tilespmem:$0x1F7C0] =	vst v63  }
0x9a: {  	_ =	swait.ge [sflag:s0], $0x1F40  }
0x9b: {  	[sflag:s0] =	ssyncset.done $0x0  }
0x9c: {  	s9 =	simm.s32 $0xC00;
	s15 =	simm.s32 $0x700;
	[sflag:s0] =	ssyncadd.s32 $0xFFFFE0C0  }
.LBB2_4:
0x9d: {  	[tilespmem:s21], [sflag:$0x3] =	stream.indirect.gather [hbm4b:s1+s16], $0x40, s15, s16, $0xb8;
	[tilespmem:$0x1F7C0] =	vst v63  }
0x9e: {  	s10 =	smov.u32 s9  }
0x9f: {  	p0 =	sne.s32 s9, $0x12000;
	s9 =	sadd.s32 $0xC00, s9;
	_ =	swait.ge [sflag:s23], $0x1F40  }
0xa0: {  	s15 =	sshra.s32 s10, $0x2;
	[sflag:s23] =	ssyncset.done $0x0  }
0xa1: {  	s10 =	sadd.s32 $0x5300, s15;
	[sflag:s23] =	ssyncadd.s32 $0xFFFFE0C0  }
0xa2: {  	[spmem:s3] =	stream.indirect.scatter.add.f32 [tilespmem:s17], [sflag:$0x7], $0x40, s10, s16, $0xb8;
	[tilespmem:$0x1F7C0] =	vst v63  }
0xa3: {  	_ =	swait.ge [sflag:s2], $0x1F40  }
0xa4: {  	[sflag:s2] =	ssyncset.done $0x0  }
0xa5: {  	s10 =	sadd.s32 $0x480, s15;
	[sflag:s2] =	ssyncadd.s32 $0xFFFFE0C0  }
0xa6: {  	[tilespmem:s25], [sflag:$0x4] =	stream.indirect.gather [hbm4b:s1+s16], $0x40, s10, s16, $0xb8;
	[tilespmem:$0x1F7C0] =	vst v63  }
0xa7: {  	_ =	swait.ge [sflag:s26], $0x1F40  }
0xa8: {  	[sflag:s26] =	ssyncset.done $0x0  }
0xa9: {  	s10 =	sadd.s32 $0x5380, s15;
	[sflag:s26] =	ssyncadd.s32 $0xFFFFE0C0  }
0xaa: {  	[spmem:s3] =	stream.indirect.scatter.add.f32 [tilespmem:s19], [sflag:$0x8], $0x40, s10, s16, $0xb8;
	[tilespmem:$0x1F7C0] =	vst v63  }
0xab: {  	_ =	swait.ge [sflag:s5], $0x1F40  }
0xac: {  	[sflag:s5] =	ssyncset.done $0x0  }
0xad: {  	s10 =	sadd.s32 $0x500, s15;
	[sflag:s5] =	ssyncadd.s32 $0xFFFFE0C0  }
0xae: {  	[tilespmem:s30], [sflag:$0x5] =	stream.indirect.gather [hbm4b:s1+s16], $0x40, s10, s16, $0xb8;
	[tilespmem:$0x1F7C0] =	vst v63  }
0xaf: {  	_ =	swait.ge [sflag:s31], $0x1F40  }
0xb0: {  	[sflag:s31] =	ssyncset.done $0x0  }
0xb1: {  	s10 =	sadd.s32 $0x5400, s15;
	[sflag:s31] =	ssyncadd.s32 $0xFFFFE0C0  }
0xb2: {  	[spmem:s3] =	stream.indirect.scatter.add.f32 [tilespmem:s21], [sflag:$0x9], $0x40, s10, s16, $0xb8;
	[tilespmem:$0x1F7C0] =	vst v63  }
0xb3: {  	_ =	swait.ge [sflag:s6], $0x1F40  }
0xb4: {  	[sflag:s6] =	ssyncset.done $0x0  }
0xb5: {  	s10 =	sadd.s32 $0x580, s15;
	[sflag:s6] =	ssyncadd.s32 $0xFFFFE0C0  }
0xb6: {  	[tilespmem:s22], [sflag:$0x6] =	stream.indirect.gather [hbm4b:s1+s16], $0x40, s10, s16, $0xb8;
	[tilespmem:$0x1F7C0] =	vst v63  }
0xb7: {  	_ =	swait.ge [sflag:s20], $0x1F40  }
0xb8: {  	[sflag:s20] =	ssyncset.done $0x0  }
0xb9: {  	s10 =	sadd.s32 $0x5480, s15;
	[sflag:s20] =	ssyncadd.s32 $0xFFFFE0C0  }
0xba: {  	[spmem:s3] =	stream.indirect.scatter.add.f32 [tilespmem:s25], [sflag:$0xA], $0x40, s10, s16, $0xb8;
	[tilespmem:$0x1F7C0] =	vst v63  }
0xbb: {  	_ =	swait.ge [sflag:s24], $0x1F40  }
0xbc: {  	[sflag:s24] =	ssyncset.done $0x0  }
0xbd: {  	s10 =	sadd.s32 $0x600, s15;
	[sflag:s24] =	ssyncadd.s32 $0xFFFFE0C0  }
0xbe: {  	[tilespmem:s17], [sflag:$0x1] =	stream.indirect.gather [hbm4b:s1+s16], $0x40, s10, s16, $0xb8;
	[tilespmem:$0x1F7C0] =	vst v63  }
0xbf: {  	_ =	swait.ge [sflag:s29], $0x1F40  }
0xc0: {  	[sflag:s29] =	ssyncset.done $0x0  }
0xc1: {  	s10 =	sadd.s32 $0x5500, s15;
	[sflag:s29] =	ssyncadd.s32 $0xFFFFE0C0  }
0xc2: {  	[spmem:s3] =	stream.indirect.scatter.add.f32 [tilespmem:s30], [sflag:$0xB], $0x40, s10, s16, $0xb8;
	[tilespmem:$0x1F7C0] =	vst v63  }
0xc3: {  	_ =	swait.ge [sflag:s18], $0x1F40  }
0xc4: {  	[sflag:s18] =	ssyncset.done $0x0  }
0xc5: {  	s10 =	sadd.s32 $0x680, s15;
	[sflag:s18] =	ssyncadd.s32 $0xFFFFE0C0  }
0xc6: {  	[tilespmem:s19], [sflag:$0x2] =	stream.indirect.gather [hbm4b:s1+s16], $0x40, s10, s16, $0xb8;
	[tilespmem:$0x1F7C0] =	vst v63  }
0xc7: {  	_ =	swait.ge [sflag:s28], $0x1F40  }
0xc8: {  	[sflag:s28] =	ssyncset.done $0x0  }
.Ltmp1:
0xc9: {  	s10 =	sadd.s32 $0x5580, s15;
	[sflag:s28] =	ssyncadd.s32 $0xFFFFE0C0;
	(pc) =	sbr.rel @p0 .LBB2_4-.Ltmp1, $4  }
0xca: {  	[spmem:s3] =	stream.indirect.scatter.add.f32 [tilespmem:s22], [sflag:$0xC], $0x40, s10, s16, $0xb8;
	[tilespmem:$0x1F7C0] =	vst v63  }
0xcb: {  	_ =	swait.ge [sflag:s0], $0x1F40  }
0xcc: {  	[sflag:s0] =	ssyncset.done $0x0  }
0xcd: {  	s15 =	sadd.s32 $0x700, s15;
	[sflag:s0] =	ssyncadd.s32 $0xFFFFE0C0  }
0xce: {  	[tilespmem:s21], [sflag:$0x3] =	stream.indirect.gather [hbm4b:s1+s16], $0x40, s15, s16, $0xb8;
	[tilespmem:$0x1F7C0] =	vst v63  }
0xcf: {  	_ =	swait.ge [sflag:s23], $0x1F40  }
0xd0: {  	[sflag:s23] =	ssyncset.done $0x0  }
0xd1: {  	s9 =	simm.s32 $0x9E00;
	[sflag:s23] =	ssyncadd.s32 $0xFFFFE0C0  }
0xd2: {  	[spmem:s3] =	stream.indirect.scatter.add.f32 [tilespmem:s17], [sflag:$0x7], $0x40, s9, s16, $0xb8;
	[tilespmem:$0x1F7C0] =	vst v63  }
0xd3: {  	_ =	swait.ge [sflag:s2], $0x1F40  }
0xd4: {  	[sflag:s2] =	ssyncset.done $0x0  }
0xd5: {  	s15 =	simm.s32 $0x4F80;
	[sflag:s2] =	ssyncadd.s32 $0xFFFFE0C0  }
0xd6: {  	[tilespmem:s25], [sflag:$0x4] =	stream.indirect.gather [hbm4b:s1+s16], $0x40, s15, s16, $0xb8;
	[tilespmem:$0x1F7C0] =	vst v63  }
0xd7: {  	_ =	swait.ge [sflag:s26], $0x1F40  }
0xd8: {  	[sflag:s26] =	ssyncset.done $0x0  }
0xd9: {  	s10 =	simm.s32 $0x9E80;
	[sflag:s26] =	ssyncadd.s32 $0xFFFFE0C0  }
0xda: {  	[spmem:s3] =	stream.indirect.scatter.add.f32 [tilespmem:s19], [sflag:$0x8], $0x40, s10, s16, $0xb8;
	[tilespmem:$0x1F7C0] =	vst v63  }
0xdb: {  	_ =	swait.ge [sflag:s5], $0x1F40  }
0xdc: {  	[sflag:s5] =	ssyncset.done $0x0  }
0xdd: {  	[sflag:s5] =	ssyncadd.s32 $0xFFFFE0C0  }
0xde: {  	_ =	swait.ge [sflag:s31], $0x1F40  }
0xdf: {  	[sflag:s31] =	ssyncset.done $0x0  }
0xe0: {  	s15 =	simm.s32 $0x9F00;
	[sflag:s31] =	ssyncadd.s32 $0xFFFFE0C0  }
0xe1: {  	[spmem:s3] =	stream.indirect.scatter.add.f32 [tilespmem:s21], [sflag:$0x9], $0x40, s15, s16, $0xb8;
	[tilespmem:$0x1F7C0] =	vst v63  }
0xe2: {  	_ =	swait.ge [sflag:s6], $0x1F40  }
0xe3: {  	[sflag:s6] =	ssyncset.done $0x0  }
0xe4: {  	[sflag:s6] =	ssyncadd.s32 $0xFFFFE0C0  }
0xe5: {  	_ =	swait.ge [sflag:s20], $0x1F40  }
0xe6: {  	[sflag:s20] =	ssyncset.done $0x0  }
0xe7: {  	s10 =	simm.s32 $0x9F80;
	[sflag:s20] =	ssyncadd.s32 $0xFFFFE0C0  }
0xe8: {  	[spmem:s3] =	stream.indirect.scatter.add.f32 [tilespmem:s25], [sflag:$0xA], $0x40, s10, s16, $0xb8;
	[tilespmem:$0x1F7C0] =	vst v63  }
0xe9: {  	_ =	swait.ge [sflag:s24], $0x1F40  }
0xea: {  	[sflag:s24] =	ssyncset.done $0x0  }
0xeb: {  	[sflag:s24] =	ssyncadd.s32 $0xFFFFE0C0  }
0xec: {  	_ =	swait.ge [sflag:s18], $0x1F40  }
0xed: {  	[sflag:s18] =	ssyncset.done $0x0  }
0xee: {  	[sflag:s18] =	ssyncadd.s32 $0xFFFFE0C0  }
0xef: {  	_ =	swait.ge [sflag:s0], $0x1F40  }
0xf0: {  	[sflag:s0] =	ssyncset.done $0x0  }
0xf1: {  	[sflag:s0] =	ssyncadd.s32 $0xFFFFE0C0  }
0xf2: {  	s8 =	sadd.s32 $0x1, s8;
	s15 =	stileid.u32;
	_ =	swait.ge [sflag:s2], $0x1F40  }
0xf3: {  	p0 =	sne.s32 s8, s13;
	s9 =	sshll.u32 s15, $0x6;
	[sflag:s2] =	ssyncset.done $0x0  }
0xf4: {  	s15 =	simm.s32 $0x10;
	s9 =	sor.u32 $0x1C0D, s9;
	[sflag:s2] =	ssyncadd.s32 $0xFFFFE0C0  }
.Ltmp2:
0xf5: {  	s10 =	sshrl.u32 s7, $0x3;
	[bflag:$0x0] =	sbarrier.arrive $0xFFFF;
	(pc) =	sbr.rel @p0 .LBB2_1-.Ltmp2, $4  }
0xf6: {  	[hbm:s12@s15], [sflag:s9] =	dma.strided [spmem:s10@s18], $0x1388, s23, $0x8   }
0xf7: {  	_ =	swait.ge [sflag:s14], $0x1388  }
0xf8: {  	[sflag:s14] =	ssyncset.done $0x0  }
0xf9: {  	[sflag:s14] =	ssyncadd.s32 $0xFFFFEC78  }
0xfa: {  	_ =	sfence.sel $0x180000  }
0xfb: {  	[bflag:$0x0] =	sbarrier.arrive $0xFFFF  }
0xfc: {  	_ =	strace $0x90000047  }
0xfd: {  	s0 =	stileid.u32;
	[bflag:$0x2] =	sbarrier.arrive $0xFFFF  }
0xfe: {  	p0 =	sne.s32 s0, $0x0;
	s0 =	rddreg [dreg:$0x4]  }
0xff: {  	s0 =	sadd.s32 @!p0 $0x100000, s0  }
0x100: {  	[sflag:s0] =	ssyncadd.tile.s32 @!p0 $0x1;
	_ =	shalt  }
.Lfunc_end2:
_tile_overlayer_lowered:
.L_overlay_start_2:
0x101: {  	(tag) =	ssettag $0x2  }
0x102: {  	s0 =	rddreg [dreg:$0x0];
	s2 =	stileid.u32  }
0x103: {  	s1 =	rddreg [dreg:$0x1];
	p0 =	sne.s32 s2, $0x0  }
0x104: {  	s3 =	rddreg [dreg:$0x2];
	[bflag:$0x3] =	sbarrier.arrive $0xFFFF;
	s2 =	simm.s32 @!p0 $0x1C0D  }
0x105: {  	[timem:s3], [sflag:s2] =	dma.local @!p0 [hbm:s0], s1  }
0x106: {  	s0 =	simm.s32 @!p0 $0xD  }
0x107: {  	_ =	swait.ge @!p0 [sflag:s0], s1  }
0x108: {  	s1 =	ssub.s32 @!p0 $0x0, s1;
	[sflag:s0] =	ssyncset.done @!p0 $0x0  }
0x109: {  	[sflag:s0] =	ssyncadd.s32 @!p0 s1  }
0x10a: {  	[bflag:$0x3] =	sbarrier.arrive $0xFFFF  }
0x10b: {  	_ =	shalt  }

</sc_bundles>
